<compile_context>
chip_gen: v7x
topology: tpu7x:2x2x1
jax: 0.10.2.dev20260603
libtpu: 0.0.44.dev20260713+nightly
codegen_flags: <defaults>
</compile_context>

<pallas_src>
import functools

import numpy as np
import jax
import jax.numpy as jnp
from jax import lax
from jax.experimental import pallas as pl
from jax.experimental.pallas import tpu as pltpu
from jax.experimental.pallas import tpu_sc as plsc

S, B, H = 2048, 4, 2048
BH = B * H
CATEGORICAL_P = 0.1
ORDERED_P = 0.7


def _num_classes() -> int:
    xs = np.arange(1, 10)
    w = xs ** (-0.8)
    w = w / w.sum()
    return int(np.random.default_rng(0).choice(xs, p=w))


NCLS = _num_classes()
NB = max(NCLS - 1, 0)
NGATHER = NB * BH

_CACHE = {}



def _tf2x32(k1, k2, x0, x1):
    k1 = np.uint32(k1)
    k2 = np.uint32(k2)
    x0 = x0.astype(np.uint32)
    x1 = x1.astype(np.uint32)
    ks = [k1, k2, np.uint32(k1 ^ k2 ^ np.uint32(0x1BD11BDA))]
    R0 = (13, 15, 26, 6)
    R1 = (17, 29, 16, 24)

    def rounds(x0, x1, rots):
        for r in rots:
            x0 = (x0 + x1).astype(np.uint32)
            x1 = ((x1 << np.uint32(r)) | (x1 >> np.uint32(32 - r))).astype(
                np.uint32
            )
            x1 = x0 ^ x1
        return x0, x1

    x0 = (x0 + ks[0]).astype(np.uint32)
    x1 = (x1 + ks[1]).astype(np.uint32)
    sched = [(R0, 1, 2), (R1, 2, 0), (R0, 0, 1), (R1, 1, 2), (R0, 2, 0)]
    for i, (rots, ka, kb) in enumerate(sched):
        x0, x1 = rounds(x0, x1, rots)
        x0 = (x0 + ks[ka]).astype(np.uint32)
        x1 = (x1 + ks[kb] + np.uint32(i + 1)).astype(np.uint32)
    return x0, x1


def _rng_bits(key, shape):
    n = int(np.prod(shape))
    i64 = np.arange(n, dtype=np.uint64)
    c1 = (i64 >> np.uint64(32)).astype(np.uint32)
    c2 = (i64 & np.uint64(0xFFFFFFFF)).astype(np.uint32)
    b1, b2 = _tf2x32(key[0], key[1], c1, c2)
    return (b1 ^ b2).reshape(shape)


def _rng_split(key, num):
    i64 = np.arange(num, dtype=np.uint64)
    c1 = (i64 >> np.uint64(32)).astype(np.uint32)
    c2 = (i64 & np.uint64(0xFFFFFFFF)).astype(np.uint32)
    b1, b2 = _tf2x32(key[0], key[1], c1, c2)
    return np.stack([b1, b2], axis=-1)


def _rng_uniform(key, shape):
    bits = _rng_bits(key, shape)
    fb = ((bits >> np.uint32(9)) | np.uint32(0x3F800000)).view(np.float32)
    return np.maximum(np.float32(0.0), fb - np.float32(1.0))


def _rng_randint(key, shape, span):
    ka, kb = _rng_split(key, 2)
    hi = _rng_bits(ka, shape)
    lo = _rng_bits(kb, shape)
    span_u = np.uint32(span)
    mult = np.uint32((int(2**16 % span) ** 2) % span)
    off = ((hi % span_u) * mult + (lo % span_u)) % span_u
    return off.astype(np.int32)


def _rng_permutation(key, n):
    _, sub = _rng_split(key, 2)
    sort_keys = _rng_bits(sub, (n,))
    return np.arange(n)[np.argsort(sort_keys, kind="stable")]


RR = 64
LN = 128


def _consts():
    if "c" in _CACHE:
        return _CACHE["c"]
    k = np.array([0, 42], dtype=np.uint32)
    k1, k2, k3, k4 = _rng_split(k, 4)
    cat = (_rng_uniform(k1, (B, H)) < np.float32(CATEGORICAL_P))
    ind = _rng_randint(k2, (NB, B, H), S)
    ordered = (_rng_uniform(k3, (B, H)) < np.float32(ORDERED_P)) & cat
    perm = _rng_permutation(k4, NCLS).astype(np.float32)

    cv = np.arange(NCLS, dtype=np.float32) - NCLS / 2.0
    ov = np.zeros(NCLS, dtype=np.float32)
    if NCLS % 2 == 0:
        for c in range(NCLS // 2, NCLS):
            ov[c] = perm[c - NCLS // 2]
    T = np.where(ordered.reshape(-1)[None, :], ov[:, None], cv[:, None])
    cconst = np.concatenate(
        [cat.reshape(-1).astype(np.float32)[None, :], T.astype(np.float32)],
        axis=0,
    ).reshape(1 + NCLS, B, H)

    rr = np.arange(RR)
    b_of = rr % B
    ht_of = rr // B
    l_of = np.arange(LN)
    h_of = ht_of[:, None] * LN + l_of[None, :]
    ccP = cconst[:, b_of[:, None], h_of]
    ind_p = ind[:, b_of[:, None], h_of]
    idxP = (
        (ind_p.astype(np.int64) * 16 + ht_of[None, :, None]) * 4
        + b_of[None, :, None]
    ) * LN + l_of[None, None, :]
    idxP = np.ascontiguousarray(idxP.astype(np.int32).reshape(-1))
    _CACHE["c"] = (idxP, np.ascontiguousarray(ccP.astype(np.float32)))
    return _CACHE["c"]



_NCORES, _NSUB = 2, 16
NW = _NCORES * _NSUB
PER_W = NGATHER // NW
CHUNK = 128
NCHUNK = PER_W // CHUNK


def _sc_gather(xflat, idx):
    mesh = plsc.VectorSubcoreMesh(core_axis_name="c", subcore_axis_name="s")

    @functools.partial(
        pl.kernel,
        mesh=mesh,
        out_type=jax.ShapeDtypeStruct((NGATHER,), jnp.float32),
        scratch_types=[
            pltpu.VMEM((PER_W,), jnp.int32),
            pltpu.VMEM((PER_W,), jnp.float32),
            pltpu.SemaphoreType.DMA,
        ],
    )
    def gk(x_hbm, idx_hbm, out_hbm, idx_v, rows_v, sem):
        wid = lax.axis_index("s") * _NCORES + lax.axis_index("c")
        base = wid * PER_W
        pltpu.sync_copy(idx_hbm.at[pl.ds(base, PER_W)], idx_v)
        cps = [
            pltpu.async_copy(
                x_hbm.at[idx_v.at[pl.ds(j * CHUNK, CHUNK)]],
                rows_v.at[pl.ds(j * CHUNK, CHUNK)],
                sem,
            )
            for j in range(NCHUNK)
        ]
        for c in cps:
            c.wait()
        pltpu.sync_copy(rows_v, out_hbm.at[pl.ds(base, PER_W)])

    return gk(xflat, idx)



SBLK = 256


def _tc_body(x_ref, bv_ref, cc_ref, o_ref):
    assert NB == 3
    G = 8
    for g in range(RR // G):
        rs = slice(g * G, (g + 1) * G)
        sb = []
        for i in range(NB):
            b = bv_ref[i : i + 1, rs]
            sb.append(b / (1.0 + jnp.abs(b)))
        lo = jnp.minimum(sb[0], sb[1])
        hi = jnp.maximum(sb[0], sb[1])
        bmax = jnp.maximum(hi, sb[2])
        mid0 = jnp.minimum(hi, sb[2])
        bmid = jnp.maximum(lo, mid0)
        bmin = jnp.minimum(lo, mid0)
        t0 = cc_ref[1:2, rs]
        t1 = cc_ref[2:3, rs]
        t2 = cc_ref[3:4, rs]
        t3 = cc_ref[4:5, rs]
        catm = cc_ref[0:1, rs] != 0.0
        x = x_ref[:, rs]
        s = x / (1.0 + jnp.abs(x))
        hi_v = jnp.where(s > bmax, t3, t2)
        lo_v = jnp.where(s > bmin, t1, t0)
        tv = jnp.where(s > bmid, hi_v, lo_v)
        o_ref[:, rs] = jnp.where(catm, tv, s)


def kernel(x):
    assert x.shape == (S, B, H), x.shape
    idxP, ccP = _consts()
    xv = x.reshape(S, B, H // LN, LN).transpose(0, 2, 1, 3).reshape(S, RR, LN)
    bv = _sc_gather(xv.reshape(-1), jnp.asarray(idxP)).reshape(NB, RR, LN)
    cc = jnp.asarray(ccP)
    out = pl.pallas_call(
        _tc_body,
        grid=(S // SBLK,),
        in_specs=[
            pl.BlockSpec((SBLK, RR, LN), lambda i: (i, 0, 0)),
            pl.BlockSpec((NB, RR, LN), lambda i: (0, 0, 0)),
            pl.BlockSpec((1 + NCLS, RR, LN), lambda i: (0, 0, 0)),
        ],
        out_specs=pl.BlockSpec((SBLK, RR, LN), lambda i: (i, 0, 0)),
        out_shape=jax.ShapeDtypeStruct((S, RR, LN), jnp.float32),
    )(xv, bv, cc)
    return (
        out.reshape(S, H // LN, B, LN).transpose(0, 2, 1, 3).reshape(S, B, H)
    )

# --- scband reference (transcript-rebuilt; emitter-appended) ---
"""Pipeline reference for scband-categorical-activation-18184891531354 (READ-ONLY COPY).

The authoritative reference and input builder live on the scoring server;
editing this copy changes nothing except your own understanding.
"""

import jax, jax.numpy as jnp
import numpy as np

CATEGORICAL_P = 0.1
ORDERED_P = 0.7


def _sample_num_classes():
    # deterministic replacement for zipf_sampler_f(0.8, 1, 10)
    xs = np.arange(1, 10)
    w = xs ** (-0.8)
    w = w / w.sum()
    rng = np.random.default_rng(0)
    return int(rng.choice(xs, p=w))


def setup_inputs(seed: int = 0) -> dict:
    key = jax.random.key(seed)
    x = jax.random.normal(key, (2048, 4, 2048), dtype=jnp.float32)
    return {"x": x}


def reference(x):
    S, B, H = x.shape
    num_classes = _sample_num_classes()
    # Softsign
    x = x / (1.0 + jnp.abs(x))
    k = jax.random.key(42)
    k1, k2, k3, k4 = jax.random.split(k, 4)
    # which (batch, hidden) columns get categorized
    categorical_classes = jax.random.uniform(k1, (B, H)) < CATEGORICAL_P
    # class boundaries: gather num_classes-1 random rows of x per (b, h) column
    n_b = max(num_classes - 1, 0)
    counts = jnp.zeros(x.shape, dtype=x.dtype)
    if n_b > 0:
        ind = jax.random.randint(k2, (n_b, B, H), 0, S)
        for i in range(n_b):
            b_i = jnp.take_along_axis(x, ind[i][None, :, :], axis=0)  # [1, B, H]
            counts = counts + (x > b_i).astype(x.dtype)
    cat_val = counts - num_classes / 2.0
    x = jnp.where(categorical_classes[None, :, :], cat_val, x)
    # randomly permute class labels on an ordered subset of categorized columns
    ordered = jnp.logical_and(jax.random.uniform(k3, (B, H)) < ORDERED_P, categorical_classes)
    perm = jax.random.permutation(k4, num_classes).astype(x.dtype)
    rc = jnp.zeros(x.shape, dtype=x.dtype)
    for c in range(num_classes):
        rc = rc + (x == float(c)).astype(x.dtype) * perm[c]
    x = jnp.where(ordered[None, :, :], rc, x)
    return x

if __name__ == "__main__":
    import jax
    _d = setup_inputs()
    print(jax.jit(kernel)(*tuple(_d.values())))

</pallas_src>

<mosaic_0001>
#map = affine_map<(d0, d1) -> (0)>
module attributes {stable_mosaic.version = 14 : i64} {
  func.func @gk(%arg0: i32, %arg1: i32, %arg2: memref<16777216xf32, #tpu.memory_space<hbm>>, %arg3: memref<24576xi32, #tpu.memory_space<hbm>>, %arg4: memref<24576xf32, #tpu.memory_space<hbm>>, %arg5: memref<768xi32, #tpu.memory_space<vmem>>, %arg6: memref<768xf32, #tpu.memory_space<vmem>>, %arg7: memref<!tpu.dma_semaphore, #tpu.memory_space<semaphore_mem>>) attributes {dimension_semantics = [#tpu.dimension_semantics<core_parallel>, #tpu.dimension_semantics<subcore_parallel>], iteration_bounds = array<i64: 2, 16>, scalar_prefetch = 0 : i64, scratch_operands = 3 : i64, tpu.core_type = #tpu.core_type<sc_vector_subcore>, window_params = [{transform_indices = #map}, {transform_indices = #map}, {transform_indices = #map}]} {
    %mul3A = arith.constant 2 : i32
    %mul3A_0 = arith.muli %arg1, %mul3A : i32
    %add3A = arith.addi %mul3A_0, %arg0 : i32
    %mul3A_1 = arith.constant 768 : i32
    %mul3A_2 = arith.muli %add3A, %mul3A_1 : i32
    "tpu.region"() ({
      %run_scoped3A = tpu.sem_alloc : memref<!tpu.dma_semaphore, #tpu.memory_space<semaphore_mem>>
      %dma_start3A_73 = tpu.memref_slice %arg3[%mul3A_2] : memref<24576xi32, #tpu.memory_space<hbm>> -> memref<768xi32, #tpu.memory_space<hbm>>
      %dma_start3A_74 = tpu.memref_slice %arg3[%mul3A_2] : memref<24576xi32, #tpu.memory_space<hbm>> -> memref<768xi32, #tpu.memory_space<hbm>>
      tpu.enqueue_dma source(%dma_start3A_74 : memref<768xi32, #tpu.memory_space<hbm>>) target(%arg5 : memref<768xi32, #tpu.memory_space<vmem>>) target_semaphore(%run_scoped3A : memref<!tpu.dma_semaphore, #tpu.memory_space<semaphore_mem>>)
      %dma_wait3A_75 = tpu.memref_slice %arg3[%mul3A_2] : memref<24576xi32, #tpu.memory_space<hbm>> -> memref<768xi32, #tpu.memory_space<hbm>>
      %dma_wait3A_76 = tpu.memref_slice %arg3[%mul3A_2] : memref<24576xi32, #tpu.memory_space<hbm>> -> memref<768xi32, #tpu.memory_space<hbm>>
      tpu.wait_dma2 semaphore(%run_scoped3A : memref<!tpu.dma_semaphore, #tpu.memory_space<semaphore_mem>>) src(%dma_wait3A_76 : memref<768xi32, #tpu.memory_space<hbm>>) dst(%arg5 : memref<768xi32, #tpu.memory_space<vmem>>)
      tpu.yield
    }) : () -> ()
    %dma_start3A = arith.constant 0 : i32
    %dma_start3A_3 = tpu.memref_slice %arg6[%dma_start3A] : memref<768xf32, #tpu.memory_space<vmem>> -> memref<128xf32, #tpu.memory_space<vmem>>
    %dma_start3A_4 = arith.constant 0 : i32
    %dma_start3A_5 = tpu.memref_slice %arg5[%dma_start3A_4] : memref<768xi32, #tpu.memory_space<vmem>> -> memref<128xi32, #tpu.memory_space<vmem>>
    %dma_start3A_6 = arith.constant 0 : i32
    %dma_start3A_7 = tpu.memref_slice %arg2[%dma_start3A_6] : memref<16777216xf32, #tpu.memory_space<hbm>> -> memref<16777216xf32, #tpu.memory_space<hbm>>
    tpu.enqueue_indirect_dma source(%dma_start3A_7 : memref<16777216xf32, #tpu.memory_space<hbm>>) target(%dma_start3A_3 : memref<128xf32, #tpu.memory_space<vmem>>) offsets(%dma_start3A_5 : memref<128xi32, #tpu.memory_space<vmem>>) semaphore(%arg7 : memref<!tpu.dma_semaphore, #tpu.memory_space<semaphore_mem>>)
    %dma_start3A_8 = arith.constant 128 : i32
    %dma_start3A_9 = tpu.memref_slice %arg6[%dma_start3A_8] : memref<768xf32, #tpu.memory_space<vmem>> -> memref<128xf32, #tpu.memory_space<vmem>>
    %dma_start3A_10 = arith.constant 128 : i32
    %dma_start3A_11 = tpu.memref_slice %arg5[%dma_start3A_10] : memref<768xi32, #tpu.memory_space<vmem>> -> memref<128xi32, #tpu.memory_space<vmem>>
    %dma_start3A_12 = arith.constant 0 : i32
    %dma_start3A_13 = tpu.memref_slice %arg2[%dma_start3A_12] : memref<16777216xf32, #tpu.memory_space<hbm>> -> memref<16777216xf32, #tpu.memory_space<hbm>>
    tpu.enqueue_indirect_dma source(%dma_start3A_13 : memref<16777216xf32, #tpu.memory_space<hbm>>) target(%dma_start3A_9 : memref<128xf32, #tpu.memory_space<vmem>>) offsets(%dma_start3A_11 : memref<128xi32, #tpu.memory_space<vmem>>) semaphore(%arg7 : memref<!tpu.dma_semaphore, #tpu.memory_space<semaphore_mem>>)
    %dma_start3A_14 = arith.constant 256 : i32
    %dma_start3A_15 = tpu.memref_slice %arg6[%dma_start3A_14] : memref<768xf32, #tpu.memory_space<vmem>> -> memref<128xf32, #tpu.memory_space<vmem>>
    %dma_start3A_16 = arith.constant 256 : i32
    %dma_start3A_17 = tpu.memref_slice %arg5[%dma_start3A_16] : memref<768xi32, #tpu.memory_space<vmem>> -> memref<128xi32, #tpu.memory_space<vmem>>
    %dma_start3A_18 = arith.constant 0 : i32
    %dma_start3A_19 = tpu.memref_slice %arg2[%dma_start3A_18] : memref<16777216xf32, #tpu.memory_space<hbm>> -> memref<16777216xf32, #tpu.memory_space<hbm>>
    tpu.enqueue_indirect_dma source(%dma_start3A_19 : memref<16777216xf32, #tpu.memory_space<hbm>>) target(%dma_start3A_15 : memref<128xf32, #tpu.memory_space<vmem>>) offsets(%dma_start3A_17 : memref<128xi32, #tpu.memory_space<vmem>>) semaphore(%arg7 : memref<!tpu.dma_semaphore, #tpu.memory_space<semaphore_mem>>)
    %dma_start3A_20 = arith.constant 384 : i32
    %dma_start3A_21 = tpu.memref_slice %arg6[%dma_start3A_20] : memref<768xf32, #tpu.memory_space<vmem>> -> memref<128xf32, #tpu.memory_space<vmem>>
    %dma_start3A_22 = arith.constant 384 : i32
    %dma_start3A_23 = tpu.memref_slice %arg5[%dma_start3A_22] : memref<768xi32, #tpu.memory_space<vmem>> -> memref<128xi32, #tpu.memory_space<vmem>>
    %dma_start3A_24 = arith.constant 0 : i32
    %dma_start3A_25 = tpu.memref_slice %arg2[%dma_start3A_24] : memref<16777216xf32, #tpu.memory_space<hbm>> -> memref<16777216xf32, #tpu.memory_space<hbm>>
    tpu.enqueue_indirect_dma source(%dma_start3A_25 : memref<16777216xf32, #tpu.memory_space<hbm>>) target(%dma_start3A_21 : memref<128xf32, #tpu.memory_space<vmem>>) offsets(%dma_start3A_23 : memref<128xi32, #tpu.memory_space<vmem>>) semaphore(%arg7 : memref<!tpu.dma_semaphore, #tpu.memory_space<semaphore_mem>>)
    %dma_start3A_26 = arith.constant 512 : i32
    %dma_start3A_27 = tpu.memref_slice %arg6[%dma_start3A_26] : memref<768xf32, #tpu.memory_space<vmem>> -> memref<128xf32, #tpu.memory_space<vmem>>
    %dma_start3A_28 = arith.constant 512 : i32
    %dma_start3A_29 = tpu.memref_slice %arg5[%dma_start3A_28] : memref<768xi32, #tpu.memory_space<vmem>> -> memref<128xi32, #tpu.memory_space<vmem>>
    %dma_start3A_30 = arith.constant 0 : i32
    %dma_start3A_31 = tpu.memref_slice %arg2[%dma_start3A_30] : memref<16777216xf32, #tpu.memory_space<hbm>> -> memref<16777216xf32, #tpu.memory_space<hbm>>
    tpu.enqueue_indirect_dma source(%dma_start3A_31 : memref<16777216xf32, #tpu.memory_space<hbm>>) target(%dma_start3A_27 : memref<128xf32, #tpu.memory_space<vmem>>) offsets(%dma_start3A_29 : memref<128xi32, #tpu.memory_space<vmem>>) semaphore(%arg7 : memref<!tpu.dma_semaphore, #tpu.memory_space<semaphore_mem>>)
    %dma_start3A_32 = arith.constant 640 : i32
    %dma_start3A_33 = tpu.memref_slice %arg6[%dma_start3A_32] : memref<768xf32, #tpu.memory_space<vmem>> -> memref<128xf32, #tpu.memory_space<vmem>>
    %dma_start3A_34 = arith.constant 640 : i32
    %dma_start3A_35 = tpu.memref_slice %arg5[%dma_start3A_34] : memref<768xi32, #tpu.memory_space<vmem>> -> memref<128xi32, #tpu.memory_space<vmem>>
    %dma_start3A_36 = arith.constant 0 : i32
    %dma_start3A_37 = tpu.memref_slice %arg2[%dma_start3A_36] : memref<16777216xf32, #tpu.memory_space<hbm>> -> memref<16777216xf32, #tpu.memory_space<hbm>>
    tpu.enqueue_indirect_dma source(%dma_start3A_37 : memref<16777216xf32, #tpu.memory_space<hbm>>) target(%dma_start3A_33 : memref<128xf32, #tpu.memory_space<vmem>>) offsets(%dma_start3A_35 : memref<128xi32, #tpu.memory_space<vmem>>) semaphore(%arg7 : memref<!tpu.dma_semaphore, #tpu.memory_space<semaphore_mem>>)
    %dma_wait3A = arith.constant 0 : i32
    %dma_wait3A_38 = tpu.memref_slice %arg6[%dma_wait3A] : memref<768xf32, #tpu.memory_space<vmem>> -> memref<128xf32, #tpu.memory_space<vmem>>
    %dma_wait3A_39 = arith.constant 0 : i32
    %dma_wait3A_40 = tpu.memref_slice %arg5[%dma_wait3A_39] : memref<768xi32, #tpu.memory_space<vmem>> -> memref<128xi32, #tpu.memory_space<vmem>>
    %dma_wait3A_41 = arith.constant 0 : i32
    %dma_wait3A_42 = tpu.memref_slice %arg2[%dma_wait3A_41] : memref<16777216xf32, #tpu.memory_space<hbm>> -> memref<16777216xf32, #tpu.memory_space<hbm>>
    tpu.wait_indirect_dma semaphore(%arg7 : memref<!tpu.dma_semaphore, #tpu.memory_space<semaphore_mem>>) src(%dma_wait3A_42 : memref<16777216xf32, #tpu.memory_space<hbm>>) dst(%dma_wait3A_38 : memref<128xf32, #tpu.memory_space<vmem>>)
    %dma_wait3A_43 = arith.constant 128 : i32
    %dma_wait3A_44 = tpu.memref_slice %arg6[%dma_wait3A_43] : memref<768xf32, #tpu.memory_space<vmem>> -> memref<128xf32, #tpu.memory_space<vmem>>
    %dma_wait3A_45 = arith.constant 128 : i32
    %dma_wait3A_46 = tpu.memref_slice %arg5[%dma_wait3A_45] : memref<768xi32, #tpu.memory_space<vmem>> -> memref<128xi32, #tpu.memory_space<vmem>>
    %dma_wait3A_47 = arith.constant 0 : i32
    %dma_wait3A_48 = tpu.memref_slice %arg2[%dma_wait3A_47] : memref<16777216xf32, #tpu.memory_space<hbm>> -> memref<16777216xf32, #tpu.memory_space<hbm>>
    tpu.wait_indirect_dma semaphore(%arg7 : memref<!tpu.dma_semaphore, #tpu.memory_space<semaphore_mem>>) src(%dma_wait3A_48 : memref<16777216xf32, #tpu.memory_space<hbm>>) dst(%dma_wait3A_44 : memref<128xf32, #tpu.memory_space<vmem>>)
    %dma_wait3A_49 = arith.constant 256 : i32
    %dma_wait3A_50 = tpu.memref_slice %arg6[%dma_wait3A_49] : memref<768xf32, #tpu.memory_space<vmem>> -> memref<128xf32, #tpu.memory_space<vmem>>
    %dma_wait3A_51 = arith.constant 256 : i32
    %dma_wait3A_52 = tpu.memref_slice %arg5[%dma_wait3A_51] : memref<768xi32, #tpu.memory_space<vmem>> -> memref<128xi32, #tpu.memory_space<vmem>>
    %dma_wait3A_53 = arith.constant 0 : i32
    %dma_wait3A_54 = tpu.memref_slice %arg2[%dma_wait3A_53] : memref<16777216xf32, #tpu.memory_space<hbm>> -> memref<16777216xf32, #tpu.memory_space<hbm>>
    tpu.wait_indirect_dma semaphore(%arg7 : memref<!tpu.dma_semaphore, #tpu.memory_space<semaphore_mem>>) src(%dma_wait3A_54 : memref<16777216xf32, #tpu.memory_space<hbm>>) dst(%dma_wait3A_50 : memref<128xf32, #tpu.memory_space<vmem>>)
    %dma_wait3A_55 = arith.constant 384 : i32
    %dma_wait3A_56 = tpu.memref_slice %arg6[%dma_wait3A_55] : memref<768xf32, #tpu.memory_space<vmem>> -> memref<128xf32, #tpu.memory_space<vmem>>
    %dma_wait3A_57 = arith.constant 384 : i32
    %dma_wait3A_58 = tpu.memref_slice %arg5[%dma_wait3A_57] : memref<768xi32, #tpu.memory_space<vmem>> -> memref<128xi32, #tpu.memory_space<vmem>>
    %dma_wait3A_59 = arith.constant 0 : i32
    %dma_wait3A_60 = tpu.memref_slice %arg2[%dma_wait3A_59] : memref<16777216xf32, #tpu.memory_space<hbm>> -> memref<16777216xf32, #tpu.memory_space<hbm>>
    tpu.wait_indirect_dma semaphore(%arg7 : memref<!tpu.dma_semaphore, #tpu.memory_space<semaphore_mem>>) src(%dma_wait3A_60 : memref<16777216xf32, #tpu.memory_space<hbm>>) dst(%dma_wait3A_56 : memref<128xf32, #tpu.memory_space<vmem>>)
    %dma_wait3A_61 = arith.constant 512 : i32
    %dma_wait3A_62 = tpu.memref_slice %arg6[%dma_wait3A_61] : memref<768xf32, #tpu.memory_space<vmem>> -> memref<128xf32, #tpu.memory_space<vmem>>
    %dma_wait3A_63 = arith.constant 512 : i32
    %dma_wait3A_64 = tpu.memref_slice %arg5[%dma_wait3A_63] : memref<768xi32, #tpu.memory_space<vmem>> -> memref<128xi32, #tpu.memory_space<vmem>>
    %dma_wait3A_65 = arith.constant 0 : i32
    %dma_wait3A_66 = tpu.memref_slice %arg2[%dma_wait3A_65] : memref<16777216xf32, #tpu.memory_space<hbm>> -> memref<16777216xf32, #tpu.memory_space<hbm>>
    tpu.wait_indirect_dma semaphore(%arg7 : memref<!tpu.dma_semaphore, #tpu.memory_space<semaphore_mem>>) src(%dma_wait3A_66 : memref<16777216xf32, #tpu.memory_space<hbm>>) dst(%dma_wait3A_62 : memref<128xf32, #tpu.memory_space<vmem>>)
    %dma_wait3A_67 = arith.constant 640 : i32
    %dma_wait3A_68 = tpu.memref_slice %arg6[%dma_wait3A_67] : memref<768xf32, #tpu.memory_space<vmem>> -> memref<128xf32, #tpu.memory_space<vmem>>
    %dma_wait3A_69 = arith.constant 640 : i32
    %dma_wait3A_70 = tpu.memref_slice %arg5[%dma_wait3A_69] : memref<768xi32, #tpu.memory_space<vmem>> -> memref<128xi32, #tpu.memory_space<vmem>>
    %dma_wait3A_71 = arith.constant 0 : i32
    %dma_wait3A_72 = tpu.memref_slice %arg2[%dma_wait3A_71] : memref<16777216xf32, #tpu.memory_space<hbm>> -> memref<16777216xf32, #tpu.memory_space<hbm>>
    tpu.wait_indirect_dma semaphore(%arg7 : memref<!tpu.dma_semaphore, #tpu.memory_space<semaphore_mem>>) src(%dma_wait3A_72 : memref<16777216xf32, #tpu.memory_space<hbm>>) dst(%dma_wait3A_68 : memref<128xf32, #tpu.memory_space<vmem>>)
    "tpu.region"() ({
      %run_scoped3A = tpu.sem_alloc : memref<!tpu.dma_semaphore, #tpu.memory_space<semaphore_mem>>
      %dma_start3A_73 = tpu.memref_slice %arg4[%mul3A_2] : memref<24576xf32, #tpu.memory_space<hbm>> -> memref<768xf32, #tpu.memory_space<hbm>>
      %dma_start3A_74 = tpu.memref_slice %arg4[%mul3A_2] : memref<24576xf32, #tpu.memory_space<hbm>> -> memref<768xf32, #tpu.memory_space<hbm>>
      tpu.enqueue_dma source(%arg6 : memref<768xf32, #tpu.memory_space<vmem>>) target(%dma_start3A_74 : memref<768xf32, #tpu.memory_space<hbm>>) target_semaphore(%run_scoped3A : memref<!tpu.dma_semaphore, #tpu.memory_space<semaphore_mem>>)
      %dma_wait3A_75 = tpu.memref_slice %arg4[%mul3A_2] : memref<24576xf32, #tpu.memory_space<hbm>> -> memref<768xf32, #tpu.memory_space<hbm>>
      %dma_wait3A_76 = tpu.memref_slice %arg4[%mul3A_2] : memref<24576xf32, #tpu.memory_space<hbm>> -> memref<768xf32, #tpu.memory_space<hbm>>
      tpu.wait_dma2 semaphore(%run_scoped3A : memref<!tpu.dma_semaphore, #tpu.memory_space<semaphore_mem>>) src(%arg6 : memref<768xf32, #tpu.memory_space<vmem>>) dst(%dma_wait3A_76 : memref<768xf32, #tpu.memory_space<hbm>>)
      tpu.yield
    }) : () -> ()
    return
  }
}

module attributes {stable_mosaic.version = 14 : i64} {
  func.func @_tc_body(%arg0: i32, %arg1: memref<256x64x128xf32, #tpu.memory_space<vmem>>, %arg2: memref<3x64x128xf32, #tpu.memory_space<vmem>>, %arg3: memref<5x64x128xf32, #tpu.memory_space<vmem>>, %arg4: memref<256x64x128xf32, #tpu.memory_space<vmem>>) attributes {dimension_semantics = [#tpu.dimension_semantics<arbitrary>], iteration_bounds = array<i64: 8>, scalar_prefetch = 0 : i64, scratch_operands = 0 : i64, tpu.core_type = #tpu.core_type<tc>, window_params = [{transform_indices = @transform_0, window_bounds = array<i64: 256, 64, 128>}, {pipeline_mode = #tpu.pipeline_mode<synchronous>, transform_indices = @transform_1, window_bounds = array<i64: 3, 64, 128>}, {pipeline_mode = #tpu.pipeline_mode<synchronous>, transform_indices = @transform_2, window_bounds = array<i64: 5, 64, 128>}, {transform_indices = @transform_3, window_bounds = array<i64: 256, 64, 128>}]} {
    %get3A = arith.constant 0 : index
    %get3A_0 = arith.constant 0 : index
    %get3A_1 = arith.constant 0 : index
    %get3A_2 = vector.load %arg2[%get3A, %get3A_0, %get3A_1] : memref<3x64x128xf32, #tpu.memory_space<vmem>>, vector<1x8x128xf32>
    %abs3A = math.absf %get3A_2 : vector<1x8x128xf32>
    %add3A = arith.constant 1.000000e+00 : f32
    %add3A_3 = vector.broadcast %add3A : f32 to vector<1x8x128xf32>
    %add3A_4 = arith.addf %add3A_3, %abs3A : vector<1x8x128xf32>
    %div3A = arith.divf %get3A_2, %add3A_4 : vector<1x8x128xf32>
    %get3A_5 = arith.constant 1 : index
    %get3A_6 = arith.constant 0 : index
    %get3A_7 = arith.constant 0 : index
    %get3A_8 = vector.load %arg2[%get3A_5, %get3A_6, %get3A_7] : memref<3x64x128xf32, #tpu.memory_space<vmem>>, vector<1x8x128xf32>
    %abs3A_9 = math.absf %get3A_8 : vector<1x8x128xf32>
    %add3A_10 = arith.constant 1.000000e+00 : f32
    %add3A_11 = vector.broadcast %add3A_10 : f32 to vector<1x8x128xf32>
    %add3A_12 = arith.addf %add3A_11, %abs3A_9 : vector<1x8x128xf32>
    %div3A_13 = arith.divf %get3A_8, %add3A_12 : vector<1x8x128xf32>
    %get3A_14 = arith.constant 2 : index
    %get3A_15 = arith.constant 0 : index
    %get3A_16 = arith.constant 0 : index
    %get3A_17 = vector.load %arg2[%get3A_14, %get3A_15, %get3A_16] : memref<3x64x128xf32, #tpu.memory_space<vmem>>, vector<1x8x128xf32>
    %abs3A_18 = math.absf %get3A_17 : vector<1x8x128xf32>
    %add3A_19 = arith.constant 1.000000e+00 : f32
    %add3A_20 = vector.broadcast %add3A_19 : f32 to vector<1x8x128xf32>
    %add3A_21 = arith.addf %add3A_20, %abs3A_18 : vector<1x8x128xf32>
    %div3A_22 = arith.divf %get3A_17, %add3A_21 : vector<1x8x128xf32>
    %min3A = arith.minimumf %div3A, %div3A_13 : vector<1x8x128xf32>
    %max3A = arith.maximumf %div3A, %div3A_13 : vector<1x8x128xf32>
    %max3A_23 = arith.maximumf %max3A, %div3A_22 : vector<1x8x128xf32>
    %min3A_24 = arith.minimumf %max3A, %div3A_22 : vector<1x8x128xf32>
    %max3A_25 = arith.maximumf %min3A, %min3A_24 : vector<1x8x128xf32>
    %min3A_26 = arith.minimumf %min3A, %min3A_24 : vector<1x8x128xf32>
    %get3A_27 = arith.constant 1 : index
    %get3A_28 = arith.constant 0 : index
    %get3A_29 = arith.constant 0 : index
    %get3A_30 = vector.load %arg3[%get3A_27, %get3A_28, %get3A_29] : memref<5x64x128xf32, #tpu.memory_space<vmem>>, vector<1x8x128xf32>
    %get3A_31 = arith.constant 2 : index
    %get3A_32 = arith.constant 0 : index
    %get3A_33 = arith.constant 0 : index
    %get3A_34 = vector.load %arg3[%get3A_31, %get3A_32, %get3A_33] : memref<5x64x128xf32, #tpu.memory_space<vmem>>, vector<1x8x128xf32>
    %get3A_35 = arith.constant 3 : index
    %get3A_36 = arith.constant 0 : index
    %get3A_37 = arith.constant 0 : index
    %get3A_38 = vector.load %arg3[%get3A_35, %get3A_36, %get3A_37] : memref<5x64x128xf32, #tpu.memory_space<vmem>>, vector<1x8x128xf32>
    %get3A_39 = arith.constant 4 : index
    %get3A_40 = arith.constant 0 : index
    %get3A_41 = arith.constant 0 : index
    %get3A_42 = vector.load %arg3[%get3A_39, %get3A_40, %get3A_41] : memref<5x64x128xf32, #tpu.memory_space<vmem>>, vector<1x8x128xf32>
    %get3A_43 = arith.constant 0 : index
    %get3A_44 = arith.constant 0 : index
    %get3A_45 = arith.constant 0 : index
    %get3A_46 = vector.load %arg3[%get3A_43, %get3A_44, %get3A_45] : memref<5x64x128xf32, #tpu.memory_space<vmem>>, vector<1x8x128xf32>
    %ne3A = arith.constant 0.000000e+00 : f32
    %ne3A_47 = vector.broadcast %ne3A : f32 to vector<1x8x128xf32>
    %ne3A_48 = arith.cmpf one, %get3A_46, %ne3A_47 : vector<1x8x128xf32>
    %get3A_49 = arith.constant 0 : index
    %get3A_50 = arith.constant 0 : index
    %get3A_51 = arith.constant 0 : index
    %get3A_52 = vector.load %arg1[%get3A_49, %get3A_50, %get3A_51] : memref<256x64x128xf32, #tpu.memory_space<vmem>>, vector<256x8x128xf32>
    %abs3A_53 = math.absf %get3A_52 : vector<256x8x128xf32>
    %add3A_54 = arith.constant 1.000000e+00 : f32
    %add3A_55 = vector.broadcast %add3A_54 : f32 to vector<256x8x128xf32>
    %add3A_56 = arith.addf %add3A_55, %abs3A_53 : vector<256x8x128xf32>
    %div3A_57 = arith.divf %get3A_52, %add3A_56 : vector<256x8x128xf32>
    %gt3A = vector.broadcast %max3A_23 : vector<1x8x128xf32> to vector<256x8x128xf32>
    %gt3A_58 = arith.cmpf ogt, %div3A_57, %gt3A : vector<256x8x128xf32>
    %broadcast_in_dim3A = vector.shape_cast %get3A_42 : vector<1x8x128xf32> to vector<1x8x128xf32>
    %broadcast_in_dim3A_59 = vector.broadcast %broadcast_in_dim3A : vector<1x8x128xf32> to vector<256x8x128xf32>
    %broadcast_in_dim3A_60 = vector.shape_cast %get3A_38 : vector<1x8x128xf32> to vector<1x8x128xf32>
    %broadcast_in_dim3A_61 = vector.broadcast %broadcast_in_dim3A_60 : vector<1x8x128xf32> to vector<256x8x128xf32>
    %select_n3A = arith.select %gt3A_58, %broadcast_in_dim3A_59, %broadcast_in_dim3A_61 : vector<256x8x128xi1>, vector<256x8x128xf32>
    %gt3A_62 = vector.broadcast %min3A_26 : vector<1x8x128xf32> to vector<256x8x128xf32>
    %gt3A_63 = arith.cmpf ogt, %div3A_57, %gt3A_62 : vector<256x8x128xf32>
    %broadcast_in_dim3A_64 = vector.shape_cast %get3A_34 : vector<1x8x128xf32> to vector<1x8x128xf32>
    %broadcast_in_dim3A_65 = vector.broadcast %broadcast_in_dim3A_64 : vector<1x8x128xf32> to vector<256x8x128xf32>
    %broadcast_in_dim3A_66 = vector.shape_cast %get3A_30 : vector<1x8x128xf32> to vector<1x8x128xf32>
    %broadcast_in_dim3A_67 = vector.broadcast %broadcast_in_dim3A_66 : vector<1x8x128xf32> to vector<256x8x128xf32>
    %select_n3A_68 = arith.select %gt3A_63, %broadcast_in_dim3A_65, %broadcast_in_dim3A_67 : vector<256x8x128xi1>, vector<256x8x128xf32>
    %gt3A_69 = vector.broadcast %max3A_25 : vector<1x8x128xf32> to vector<256x8x128xf32>
    %gt3A_70 = arith.cmpf ogt, %div3A_57, %gt3A_69 : vector<256x8x128xf32>
    %select_n3A_71 = arith.select %gt3A_70, %select_n3A, %select_n3A_68 : vector<256x8x128xi1>, vector<256x8x128xf32>
    %broadcast_in_dim3A_72 = vector.shape_cast %ne3A_48 : vector<1x8x128xi1> to vector<1x8x128xi1>
    %broadcast_in_dim3A_73 = vector.broadcast %broadcast_in_dim3A_72 : vector<1x8x128xi1> to vector<256x8x128xi1>
    %select_n3A_74 = arith.select %broadcast_in_dim3A_73, %select_n3A_71, %div3A_57 : vector<256x8x128xi1>, vector<256x8x128xf32>
    %swap3A = arith.constant 0 : index
    %swap3A_75 = arith.constant 0 : index
    %swap3A_76 = arith.constant 0 : index
    %swap3A_77 = vector.load %arg4[%swap3A, %swap3A_75, %swap3A_76] : memref<256x64x128xf32, #tpu.memory_space<vmem>>, vector<256x8x128xf32>
    tpu.vector_store %arg4[%swap3A, %swap3A_75, %swap3A_76], %select_n3A_74 {strides = array<i32>} : memref<256x64x128xf32, #tpu.memory_space<vmem>>, vector<256x8x128xf32>,
    %get3A_78 = arith.constant 0 : index
    %get3A_79 = arith.constant 8 : index
    %get3A_80 = arith.constant 0 : index
    %get3A_81 = vector.load %arg2[%get3A_78, %get3A_79, %get3A_80] : memref<3x64x128xf32, #tpu.memory_space<vmem>>, vector<1x8x128xf32>
    %abs3A_82 = math.absf %get3A_81 : vector<1x8x128xf32>
    %add3A_83 = arith.constant 1.000000e+00 : f32
    %add3A_84 = vector.broadcast %add3A_83 : f32 to vector<1x8x128xf32>
    %add3A_85 = arith.addf %add3A_84, %abs3A_82 : vector<1x8x128xf32>
    %div3A_86 = arith.divf %get3A_81, %add3A_85 : vector<1x8x128xf32>
    %get3A_87 = arith.constant 1 : index
    %get3A_88 = arith.constant 8 : index
    %get3A_89 = arith.constant 0 : index
    %get3A_90 = vector.load %arg2[%get3A_87, %get3A_88, %get3A_89] : memref<3x64x128xf32, #tpu.memory_space<vmem>>, vector<1x8x128xf32>
    %abs3A_91 = math.absf %get3A_90 : vector<1x8x128xf32>
    %add3A_92 = arith.constant 1.000000e+00 : f32
    %add3A_93 = vector.broadcast %add3A_92 : f32 to vector<1x8x128xf32>
    %add3A_94 = arith.addf %add3A_93, %abs3A_91 : vector<1x8x128xf32>
    %div3A_95 = arith.divf %get3A_90, %add3A_94 : vector<1x8x128xf32>
    %get3A_96 = arith.constant 2 : index
    %get3A_97 = arith.constant 8 : index
    %get3A_98 = arith.constant 0 : index
    %get3A_99 = vector.load %arg2[%get3A_96, %get3A_97, %get3A_98] : memref<3x64x128xf32, #tpu.memory_space<vmem>>, vector<1x8x128xf32>
    %abs3A_100 = math.absf %get3A_99 : vector<1x8x128xf32>
    %add3A_101 = arith.constant 1.000000e+00 : f32
    %add3A_102 = vector.broadcast %add3A_101 : f32 to vector<1x8x128xf32>
    %add3A_103 = arith.addf %add3A_102, %abs3A_100 : vector<1x8x128xf32>
    %div3A_104 = arith.divf %get3A_99, %add3A_103 : vector<1x8x128xf32>
    %min3A_105 = arith.minimumf %div3A_86, %div3A_95 : vector<1x8x128xf32>
    %max3A_106 = arith.maximumf %div3A_86, %div3A_95 : vector<1x8x128xf32>
    %max3A_107 = arith.maximumf %max3A_106, %div3A_104 : vector<1x8x128xf32>
    %min3A_108 = arith.minimumf %max3A_106, %div3A_104 : vector<1x8x128xf32>
    %max3A_109 = arith.maximumf %min3A_105, %min3A_108 : vector<1x8x128xf32>
    %min3A_110 = arith.minimumf %min3A_105, %min3A_108 : vector<1x8x128xf32>
    %get3A_111 = arith.constant 1 : index
    %get3A_112 = arith.constant 8 : index
    %get3A_113 = arith.constant 0 : index
    %get3A_114 = vector.load %arg3[%get3A_111, %get3A_112, %get3A_113] : memref<5x64x128xf32, #tpu.memory_space<vmem>>, vector<1x8x128xf32>
    %get3A_115 = arith.constant 2 : index
    %get3A_116 = arith.constant 8 : index
    %get3A_117 = arith.constant 0 : index
    %get3A_118 = vector.load %arg3[%get3A_115, %get3A_116, %get3A_117] : memref<5x64x128xf32, #tpu.memory_space<vmem>>, vector<1x8x128xf32>
    %get3A_119 = arith.constant 3 : index
    %get3A_120 = arith.constant 8 : index
    %get3A_121 = arith.constant 0 : index
    %get3A_122 = vector.load %arg3[%get3A_119, %get3A_120, %get3A_121] : memref<5x64x128xf32, #tpu.memory_space<vmem>>, vector<1x8x128xf32>
    %get3A_123 = arith.constant 4 : index
    %get3A_124 = arith.constant 8 : index
    %get3A_125 = arith.constant 0 : index
    %get3A_126 = vector.load %arg3[%get3A_123, %get3A_124, %get3A_125] : memref<5x64x128xf32, #tpu.memory_space<vmem>>, vector<1x8x128xf32>
    %get3A_127 = arith.constant 0 : index
    %get3A_128 = arith.constant 8 : index
    %get3A_129 = arith.constant 0 : index
    %get3A_130 = vector.load %arg3[%get3A_127, %get3A_128, %get3A_129] : memref<5x64x128xf32, #tpu.memory_space<vmem>>, vector<1x8x128xf32>
    %ne3A_131 = arith.constant 0.000000e+00 : f32
    %ne3A_132 = vector.broadcast %ne3A_131 : f32 to vector<1x8x128xf32>
    %ne3A_133 = arith.cmpf one, %get3A_130, %ne3A_132 : vector<1x8x128xf32>
    %get3A_134 = arith.constant 0 : index
    %get3A_135 = arith.constant 8 : index
    %get3A_136 = arith.constant 0 : index
    %get3A_137 = vector.load %arg1[%get3A_134, %get3A_135, %get3A_136] : memref<256x64x128xf32, #tpu.memory_space<vmem>>, vector<256x8x128xf32>
    %abs3A_138 = math.absf %get3A_137 : vector<256x8x128xf32>
    %add3A_139 = arith.constant 1.000000e+00 : f32
    %add3A_140 = vector.broadcast %add3A_139 : f32 to vector<256x8x128xf32>
    %add3A_141 = arith.addf %add3A_140, %abs3A_138 : vector<256x8x128xf32>
    %div3A_142 = arith.divf %get3A_137, %add3A_141 : vector<256x8x128xf32>
    %gt3A_143 = vector.broadcast %max3A_107 : vector<1x8x128xf32> to vector<256x8x128xf32>
    %gt3A_144 = arith.cmpf ogt, %div3A_142, %gt3A_143 : vector<256x8x128xf32>
    %broadcast_in_dim3A_145 = vector.shape_cast %get3A_126 : vector<1x8x128xf32> to vector<1x8x128xf32>
    %broadcast_in_dim3A_146 = vector.broadcast %broadcast_in_dim3A_145 : vector<1x8x128xf32> to vector<256x8x128xf32>
    %broadcast_in_dim3A_147 = vector.shape_cast %get3A_122 : vector<1x8x128xf32> to vector<1x8x128xf32>
    %broadcast_in_dim3A_148 = vector.broadcast %broadcast_in_dim3A_147 : vector<1x8x128xf32> to vector<256x8x128xf32>
    %select_n3A_149 = arith.select %gt3A_144, %broadcast_in_dim3A_146, %broadcast_in_dim3A_148 : vector<256x8x128xi1>, vector<256x8x128xf32>
    %gt3A_150 = vector.broadcast %min3A_110 : vector<1x8x128xf32> to vector<256x8x128xf32>
    %gt3A_151 = arith.cmpf ogt, %div3A_142, %gt3A_150 : vector<256x8x128xf32>
    %broadcast_in_dim3A_152 = vector.shape_cast %get3A_118 : vector<1x8x128xf32> to vector<1x8x128xf32>
    %broadcast_in_dim3A_153 = vector.broadcast %broadcast_in_dim3A_152 : vector<1x8x128xf32> to vector<256x8x128xf32>
    %broadcast_in_dim3A_154 = vector.shape_cast %get3A_114 : vector<1x8x128xf32> to vector<1x8x128xf32>
    %broadcast_in_dim3A_155 = vector.broadcast %broadcast_in_dim3A_154 : vector<1x8x128xf32> to vector<256x8x128xf32>
    %select_n3A_156 = arith.select %gt3A_151, %broadcast_in_dim3A_153, %broadcast_in_dim3A_155 : vector<256x8x128xi1>, vector<256x8x128xf32>
    %gt3A_157 = vector.broadcast %max3A_109 : vector<1x8x128xf32> to vector<256x8x128xf32>
    %gt3A_158 = arith.cmpf ogt, %div3A_142, %gt3A_157 : vector<256x8x128xf32>
    %select_n3A_159 = arith.select %gt3A_158, %select_n3A_149, %select_n3A_156 : vector<256x8x128xi1>, vector<256x8x128xf32>
    %broadcast_in_dim3A_160 = vector.shape_cast %ne3A_133 : vector<1x8x128xi1> to vector<1x8x128xi1>
    %broadcast_in_dim3A_161 = vector.broadcast %broadcast_in_dim3A_160 : vector<1x8x128xi1> to vector<256x8x128xi1>
    %select_n3A_162 = arith.select %broadcast_in_dim3A_161, %select_n3A_159, %div3A_142 : vector<256x8x128xi1>, vector<256x8x128xf32>
    %swap3A_163 = arith.constant 0 : index
    %swap3A_164 = arith.constant 8 : index
    %swap3A_165 = arith.constant 0 : index
    %swap3A_166 = vector.load %arg4[%swap3A_163, %swap3A_164, %swap3A_165] : memref<256x64x128xf32, #tpu.memory_space<vmem>>, vector<256x8x128xf32>
    tpu.vector_store %arg4[%swap3A_163, %swap3A_164, %swap3A_165], %select_n3A_162 {strides = array<i32>} : memref<256x64x128xf32, #tpu.memory_space<vmem>>, vector<256x8x128xf32>,
    %get3A_167 = arith.constant 0 : index
    %get3A_168 = arith.constant 16 : index
    %get3A_169 = arith.constant 0 : index
    %get3A_170 = vector.load %arg2[%get3A_167, %get3A_168, %get3A_169] : memref<3x64x128xf32, #tpu.memory_space<vmem>>, vector<1x8x128xf32>
    %abs3A_171 = math.absf %get3A_170 : vector<1x8x128xf32>
    %add3A_172 = arith.constant 1.000000e+00 : f32
    %add3A_173 = vector.broadcast %add3A_172 : f32 to vector<1x8x128xf32>
    %add3A_174 = arith.addf %add3A_173, %abs3A_171 : vector<1x8x128xf32>
    %div3A_175 = arith.divf %get3A_170, %add3A_174 : vector<1x8x128xf32>
    %get3A_176 = arith.constant 1 : index
    %get3A_177 = arith.constant 16 : index
    %get3A_178 = arith.constant 0 : index
    %get3A_179 = vector.load %arg2[%get3A_176, %get3A_177, %get3A_178] : memref<3x64x128xf32, #tpu.memory_space<vmem>>, vector<1x8x128xf32>
    %abs3A_180 = math.absf %get3A_179 : vector<1x8x128xf32>
    %add3A_181 = arith.constant 1.000000e+00 : f32
    %add3A_182 = vector.broadcast %add3A_181 : f32 to vector<1x8x128xf32>
    %add3A_183 = arith.addf %add3A_182, %abs3A_180 : vector<1x8x128xf32>
    %div3A_184 = arith.divf %get3A_179, %add3A_183 : vector<1x8x128xf32>
    %get3A_185 = arith.constant 2 : index
    %get3A_186 = arith.constant 16 : index
    %get3A_187 = arith.constant 0 : index
    %get3A_188 = vector.load %arg2[%get3A_185, %get3A_186, %get3A_187] : memref<3x64x128xf32, #tpu.memory_space<vmem>>, vector<1x8x128xf32>
    %abs3A_189 = math.absf %get3A_188 : vector<1x8x128xf32>
    %add3A_190 = arith.constant 1.000000e+00 : f32
    %add3A_191 = vector.broadcast %add3A_190 : f32 to vector<1x8x128xf32>
    %add3A_192 = arith.addf %add3A_191, %abs3A_189 : vector<1x8x128xf32>
    %div3A_193 = arith.divf %get3A_188, %add3A_192 : vector<1x8x128xf32>
    %min3A_194 = arith.minimumf %div3A_175, %div3A_184 : vector<1x8x128xf32>
    %max3A_195 = arith.maximumf %div3A_175, %div3A_184 : vector<1x8x128xf32>
    %max3A_196 = arith.maximumf %max3A_195, %div3A_193 : vector<1x8x128xf32>
    %min3A_197 = arith.minimumf %max3A_195, %div3A_193 : vector<1x8x128xf32>
    %max3A_198 = arith.maximumf %min3A_194, %min3A_197 : vector<1x8x128xf32>
    %min3A_199 = arith.minimumf %min3A_194, %min3A_197 : vector<1x8x128xf32>
    %get3A_200 = arith.constant 1 : index
    %get3A_201 = arith.constant 16 : index
    %get3A_202 = arith.constant 0 : index
    %get3A_203 = vector.load %arg3[%get3A_200, %get3A_201, %get3A_202] : memref<5x64x128xf32, #tpu.memory_space<vmem>>, vector<1x8x128xf32>
    %get3A_204 = arith.constant 2 : index
    %get3A_205 = arith.constant 16 : index
    %get3A_206 = arith.constant 0 : index
    %get3A_207 = vector.load %arg3[%get3A_204, %get3A_205, %get3A_206] : memref<5x64x128xf32, #tpu.memory_space<vmem>>, vector<1x8x128xf32>
    %get3A_208 = arith.constant 3 : index
    %get3A_209 = arith.constant 16 : index
    %get3A_210 = arith.constant 0 : index
    %get3A_211 = vector.load %arg3[%get3A_208, %get3A_209, %get3A_210] : memref<5x64x128xf32, #tpu.memory_space<vmem>>, vector<1x8x128xf32>
    %get3A_212 = arith.constant 4 : index
    %get3A_213 = arith.constant 16 : index
    %get3A_214 = arith.constant 0 : index
    %get3A_215 = vector.load %arg3[%get3A_212, %get3A_213, %get3A_214] : memref<5x64x128xf32, #tpu.memory_space<vmem>>, vector<1x8x128xf32>
    %get3A_216 = arith.constant 0 : index
    %get3A_217 = arith.constant 16 : index
    %get3A_218 = arith.constant 0 : index
    %get3A_219 = vector.load %arg3[%get3A_216, %get3A_217, %get3A_218] : memref<5x64x128xf32, #tpu.memory_space<vmem>>, vector<1x8x128xf32>
    %ne3A_220 = arith.constant 0.000000e+00 : f32
    %ne3A_221 = vector.broadcast %ne3A_220 : f32 to vector<1x8x128xf32>
    %ne3A_222 = arith.cmpf one, %get3A_219, %ne3A_221 : vector<1x8x128xf32>
    %get3A_223 = arith.constant 0 : index
    %get3A_224 = arith.constant 16 : index
    %get3A_225 = arith.constant 0 : index
    %get3A_226 = vector.load %arg1[%get3A_223, %get3A_224, %get3A_225] : memref<256x64x128xf32, #tpu.memory_space<vmem>>, vector<256x8x128xf32>
    %abs3A_227 = math.absf %get3A_226 : vector<256x8x128xf32>
    %add3A_228 = arith.constant 1.000000e+00 : f32
    %add3A_229 = vector.broadcast %add3A_228 : f32 to vector<256x8x128xf32>
    %add3A_230 = arith.addf %add3A_229, %abs3A_227 : vector<256x8x128xf32>
    %div3A_231 = arith.divf %get3A_226, %add3A_230 : vector<256x8x128xf32>
    %gt3A_232 = vector.broadcast %max3A_196 : vector<1x8x128xf32> to vector<256x8x128xf32>
    %gt3A_233 = arith.cmpf ogt, %div3A_231, %gt3A_232 : vector<256x8x128xf32>
    %broadcast_in_dim3A_234 = vector.shape_cast %get3A_215 : vector<1x8x128xf32> to vector<1x8x128xf32>
    %broadcast_in_dim3A_235 = vector.broadcast %broadcast_in_dim3A_234 : vector<1x8x128xf32> to vector<256x8x128xf32>
    %broadcast_in_dim3A_236 = vector.shape_cast %get3A_211 : vector<1x8x128xf32> to vector<1x8x128xf32>
    %broadcast_in_dim3A_237 = vector.broadcast %broadcast_in_dim3A_236 : vector<1x8x128xf32> to vector<256x8x128xf32>
    %select_n3A_238 = arith.select %gt3A_233, %broadcast_in_dim3A_235, %broadcast_in_dim3A_237 : vector<256x8x128xi1>, vector<256x8x128xf32>
    %gt3A_239 = vector.broadcast %min3A_199 : vector<1x8x128xf32> to vector<256x8x128xf32>
    %gt3A_240 = arith.cmpf ogt, %div3A_231, %gt3A_239 : vector<256x8x128xf32>
    %broadcast_in_dim3A_241 = vector.shape_cast %get3A_207 : vector<1x8x128xf32> to vector<1x8x128xf32>
    %broadcast_in_dim3A_242 = vector.broadcast %broadcast_in_dim3A_241 : vector<1x8x128xf32> to vector<256x8x128xf32>
    %broadcast_in_dim3A_243 = vector.shape_cast %get3A_203 : vector<1x8x128xf32> to vector<1x8x128xf32>
    %broadcast_in_dim3A_244 = vector.broadcast %broadcast_in_dim3A_243 : vector<1x8x128xf32> to vector<256x8x128xf32>
    %select_n3A_245 = arith.select %gt3A_240, %broadcast_in_dim3A_242, %broadcast_in_dim3A_244 : vector<256x8x128xi1>, vector<256x8x128xf32>
    %gt3A_246 = vector.broadcast %max3A_198 : vector<1x8x128xf32> to vector<256x8x128xf32>
    %gt3A_247 = arith.cmpf ogt, %div3A_231, %gt3A_246 : vector<256x8x128xf32>
    %select_n3A_248 = arith.select %gt3A_247, %select_n3A_238, %select_n3A_245 : vector<256x8x128xi1>, vector<256x8x128xf32>
    %broadcast_in_dim3A_249 = vector.shape_cast %ne3A_222 : vector<1x8x128xi1> to vector<1x8x128xi1>
    %broadcast_in_dim3A_250 = vector.broadcast %broadcast_in_dim3A_249 : vector<1x8x128xi1> to vector<256x8x128xi1>
    %select_n3A_251 = arith.select %broadcast_in_dim3A_250, %select_n3A_248, %div3A_231 : vector<256x8x128xi1>, vector<256x8x128xf32>
    %swap3A_252 = arith.constant 0 : index
    %swap3A_253 = arith.constant 16 : index
    %swap3A_254 = arith.constant 0 : index
    %swap3A_255 = vector.load %arg4[%swap3A_252, %swap3A_253, %swap3A_254] : memref<256x64x128xf32, #tpu.memory_space<vmem>>, vector<256x8x128xf32>
    tpu.vector_store %arg4[%swap3A_252, %swap3A_253, %swap3A_254], %select_n3A_251 {strides = array<i32>} : memref<256x64x128xf32, #tpu.memory_space<vmem>>, vector<256x8x128xf32>,
    %get3A_256 = arith.constant 0 : index
    %get3A_257 = arith.constant 24 : index
    %get3A_258 = arith.constant 0 : index
    %get3A_259 = vector.load %arg2[%get3A_256, %get3A_257, %get3A_258] : memref<3x64x128xf32, #tpu.memory_space<vmem>>, vector<1x8x128xf32>
    %abs3A_260 = math.absf %get3A_259 : vector<1x8x128xf32>
    %add3A_261 = arith.constant 1.000000e+00 : f32
    %add3A_262 = vector.broadcast %add3A_261 : f32 to vector<1x8x128xf32>
    %add3A_263 = arith.addf %add3A_262, %abs3A_260 : vector<1x8x128xf32>
    %div3A_264 = arith.divf %get3A_259, %add3A_263 : vector<1x8x128xf32>
    %get3A_265 = arith.constant 1 : index
    %get3A_266 = arith.constant 24 : index
    %get3A_267 = arith.constant 0 : index
    %get3A_268 = vector.load %arg2[%get3A_265, %get3A_266, %get3A_267] : memref<3x64x128xf32, #tpu.memory_space<vmem>>, vector<1x8x128xf32>
    %abs3A_269 = math.absf %get3A_268 : vector<1x8x128xf32>
    %add3A_270 = arith.constant 1.000000e+00 : f32
    %add3A_271 = vector.broadcast %add3A_270 : f32 to vector<1x8x128xf32>
    %add3A_272 = arith.addf %add3A_271, %abs3A_269 : vector<1x8x128xf32>
    %div3A_273 = arith.divf %get3A_268, %add3A_272 : vector<1x8x128xf32>
    %get3A_274 = arith.constant 2 : index
    %get3A_275 = arith.constant 24 : index
    %get3A_276 = arith.constant 0 : index
    %get3A_277 = vector.load %arg2[%get3A_274, %get3A_275, %get3A_276] : memref<3x64x128xf32, #tpu.memory_space<vmem>>, vector<1x8x128xf32>
    %abs3A_278 = math.absf %get3A_277 : vector<1x8x128xf32>
    %add3A_279 = arith.constant 1.000000e+00 : f32
    %add3A_280 = vector.broadcast %add3A_279 : f32 to vector<1x8x128xf32>
    %add3A_281 = arith.addf %add3A_280, %abs3A_278 : vector<1x8x128xf32>
    %div3A_282 = arith.divf %get3A_277, %add3A_281 : vector<1x8x128xf32>
    %min3A_283 = arith.minimumf %div3A_264, %div3A_273 : vector<1x8x128xf32>
    %max3A_284 = arith.maximumf %div3A_264, %div3A_273 : vector<1x8x128xf32>
    %max3A_285 = arith.maximumf %max3A_284, %div3A_282 : vector<1x8x128xf32>
    %min3A_286 = arith.minimumf %max3A_284, %div3A_282 : vector<1x8x128xf32>
    %max3A_287 = arith.maximumf %min3A_283, %min3A_286 : vector<1x8x128xf32>
    %min3A_288 = arith.minimumf %min3A_283, %min3A_286 : vector<1x8x128xf32>
    %get3A_289 = arith.constant 1 : index
    %get3A_290 = arith.constant 24 : index
    %get3A_291 = arith.constant 0 : index
    %get3A_292 = vector.load %arg3[%get3A_289, %get3A_290, %get3A_291] : memref<5x64x128xf32, #tpu.memory_space<vmem>>, vector<1x8x128xf32>
    %get3A_293 = arith.constant 2 : index
    %get3A_294 = arith.constant 24 : index
    %get3A_295 = arith.constant 0 : index
    %get3A_296 = vector.load %arg3[%get3A_293, %get3A_294, %get3A_295] : memref<5x64x128xf32, #tpu.memory_space<vmem>>, vector<1x8x128xf32>
    %get3A_297 = arith.constant 3 : index
    %get3A_298 = arith.constant 24 : index
    %get3A_299 = arith.constant 0 : index
    %get3A_300 = vector.load %arg3[%get3A_297, %get3A_298, %get3A_299] : memref<5x64x128xf32, #tpu.memory_space<vmem>>, vector<1x8x128xf32>
    %get3A_301 = arith.constant 4 : index
    %get3A_302 = arith.constant 24 : index
    %get3A_303 = arith.constant 0 : index
    %get3A_304 = vector.load %arg3[%get3A_301, %get3A_302, %get3A_303] : memref<5x64x128xf32, #tpu.memory_space<vmem>>, vector<1x8x128xf32>
    %get3A_305 = arith.constant 0 : index
    %get3A_306 = arith.constant 24 : index
    %get3A_307 = arith.constant 0 : index
    %get3A_308 = vector.load %arg3[%get3A_305, %get3A_306, %get3A_307] : memref<5x64x128xf32, #tpu.memory_space<vmem>>, vector<1x8x128xf32>
    %ne3A_309 = arith.constant 0.000000e+00 : f32
    %ne3A_310 = vector.broadcast %ne3A_309 : f32 to vector<1x8x128xf32>
    %ne3A_311 = arith.cmpf one, %get3A_308, %ne3A_310 : vector<1x8x128xf32>
    %get3A_312 = arith.constant 0 : index
    %get3A_313 = arith.constant 24 : index
    %get3A_314 = arith.constant 0 : index
    %get3A_315 = vector.load %arg1[%get3A_312, %get3A_313, %get3A_314] : memref<256x64x128xf32, #tpu.memory_space<vmem>>, vector<256x8x128xf32>
    %abs3A_316 = math.absf %get3A_315 : vector<256x8x128xf32>
    %add3A_317 = arith.constant 1.000000e+00 : f32
    %add3A_318 = vector.broadcast %add3A_317 : f32 to vector<256x8x128xf32>
    %add3A_319 = arith.addf %add3A_318, %abs3A_316 : vector<256x8x128xf32>
    %div3A_320 = arith.divf %get3A_315, %add3A_319 : vector<256x8x128xf32>
    %gt3A_321 = vector.broadcast %max3A_285 : vector<1x8x128xf32> to vector<256x8x128xf32>
    %gt3A_322 = arith.cmpf ogt, %div3A_320, %gt3A_321 : vector<256x8x128xf32>
    %broadcast_in_dim3A_323 = vector.shape_cast %get3A_304 : vector<1x8x128xf32> to vector<1x8x128xf32>
    %broadcast_in_dim3A_324 = vector.broadcast %broadcast_in_dim3A_323 : vector<1x8x128xf32> to vector<256x8x128xf32>
    %broadcast_in_dim3A_325 = vector.shape_cast %get3A_300 : vector<1x8x128xf32> to vector<1x8x128xf32>
    %broadcast_in_dim3A_326 = vector.broadcast %broadcast_in_dim3A_325 : vector<1x8x128xf32> to vector<256x8x128xf32>
    %select_n3A_327 = arith.select %gt3A_322, %broadcast_in_dim3A_324, %broadcast_in_dim3A_326 : vector<256x8x128xi1>, vector<256x8x128xf32>
    %gt3A_328 = vector.broadcast %min3A_288 : vector<1x8x128xf32> to vector<256x8x128xf32>
    %gt3A_329 = arith.cmpf ogt, %div3A_320, %gt3A_328 : vector<256x8x128xf32>
    %broadcast_in_dim3A_330 = vector.shape_cast %get3A_296 : vector<1x8x128xf32> to vector<1x8x128xf32>
    %broadcast_in_dim3A_331 = vector.broadcast %broadcast_in_dim3A_330 : vector<1x8x128xf32> to vector<256x8x128xf32>
    %broadcast_in_dim3A_332 = vector.shape_cast %get3A_292 : vector<1x8x128xf32> to vector<1x8x128xf32>
    %broadcast_in_dim3A_333 = vector.broadcast %broadcast_in_dim3A_332 : vector<1x8x128xf32> to vector<256x8x128xf32>
    %select_n3A_334 = arith.select %gt3A_329, %broadcast_in_dim3A_331, %broadcast_in_dim3A_333 : vector<256x8x128xi1>, vector<256x8x128xf32>
    %gt3A_335 = vector.broadcast %max3A_287 : vector<1x8x128xf32> to vector<256x8x128xf32>
    %gt3A_336 = arith.cmpf ogt, %div3A_320, %gt3A_335 : vector<256x8x128xf32>
    %select_n3A_337 = arith.select %gt3A_336, %select_n3A_327, %select_n3A_334 : vector<256x8x128xi1>, vector<256x8x128xf32>
    %broadcast_in_dim3A_338 = vector.shape_cast %ne3A_311 : vector<1x8x128xi1> to vector<1x8x128xi1>
    %broadcast_in_dim3A_339 = vector.broadcast %broadcast_in_dim3A_338 : vector<1x8x128xi1> to vector<256x8x128xi1>
    %select_n3A_340 = arith.select %broadcast_in_dim3A_339, %select_n3A_337, %div3A_320 : vector<256x8x128xi1>, vector<256x8x128xf32>
    %swap3A_341 = arith.constant 0 : index
    %swap3A_342 = arith.constant 24 : index
    %swap3A_343 = arith.constant 0 : index
    %swap3A_344 = vector.load %arg4[%swap3A_341, %swap3A_342, %swap3A_343] : memref<256x64x128xf32, #tpu.memory_space<vmem>>, vector<256x8x128xf32>
    tpu.vector_store %arg4[%swap3A_341, %swap3A_342, %swap3A_343], %select_n3A_340 {strides = array<i32>} : memref<256x64x128xf32, #tpu.memory_space<vmem>>, vector<256x8x128xf32>,
    %get3A_345 = arith.constant 0 : index
    %get3A_346 = arith.constant 32 : index
    %get3A_347 = arith.constant 0 : index
    %get3A_348 = vector.load %arg2[%get3A_345, %get3A_346, %get3A_347] : memref<3x64x128xf32, #tpu.memory_space<vmem>>, vector<1x8x128xf32>
    %abs3A_349 = math.absf %get3A_348 : vector<1x8x128xf32>
    %add3A_350 = arith.constant 1.000000e+00 : f32
    %add3A_351 = vector.broadcast %add3A_350 : f32 to vector<1x8x128xf32>
    %add3A_352 = arith.addf %add3A_351, %abs3A_349 : vector<1x8x128xf32>
    %div3A_353 = arith.divf %get3A_348, %add3A_352 : vector<1x8x128xf32>
    %get3A_354 = arith.constant 1 : index
    %get3A_355 = arith.constant 32 : index
    %get3A_356 = arith.constant 0 : index
    %get3A_357 = vector.load %arg2[%get3A_354, %get3A_355, %get3A_356] : memref<3x64x128xf32, #tpu.memory_space<vmem>>, vector<1x8x128xf32>
    %abs3A_358 = math.absf %get3A_357 : vector<1x8x128xf32>
    %add3A_359 = arith.constant 1.000000e+00 : f32
    %add3A_360 = vector.broadcast %add3A_359 : f32 to vector<1x8x128xf32>
    %add3A_361 = arith.addf %add3A_360, %abs3A_358 : vector<1x8x128xf32>
    %div3A_362 = arith.divf %get3A_357, %add3A_361 : vector<1x8x128xf32>
    %get3A_363 = arith.constant 2 : index
    %get3A_364 = arith.constant 32 : index
    %get3A_365 = arith.constant 0 : index
    %get3A_366 = vector.load %arg2[%get3A_363, %get3A_364, %get3A_365] : memref<3x64x128xf32, #tpu.memory_space<vmem>>, vector<1x8x128xf32>
    %abs3A_367 = math.absf %get3A_366 : vector<1x8x128xf32>
    %add3A_368 = arith.constant 1.000000e+00 : f32
    %add3A_369 = vector.broadcast %add3A_368 : f32 to vector<1x8x128xf32>
    %add3A_370 = arith.addf %add3A_369, %abs3A_367 : vector<1x8x128xf32>
    %div3A_371 = arith.divf %get3A_366, %add3A_370 : vector<1x8x128xf32>
    %min3A_372 = arith.minimumf %div3A_353, %div3A_362 : vector<1x8x128xf32>
    %max3A_373 = arith.maximumf %div3A_353, %div3A_362 : vector<1x8x128xf32>
    %max3A_374 = arith.maximumf %max3A_373, %div3A_371 : vector<1x8x128xf32>
    %min3A_375 = arith.minimumf %max3A_373, %div3A_371 : vector<1x8x128xf32>
    %max3A_376 = arith.maximumf %min3A_372, %min3A_375 : vector<1x8x128xf32>
    %min3A_377 = arith.minimumf %min3A_372, %min3A_375 : vector<1x8x128xf32>
    %get3A_378 = arith.constant 1 : index
    %get3A_379 = arith.constant 32 : index
    %get3A_380 = arith.constant 0 : index
    %get3A_381 = vector.load %arg3[%get3A_378, %get3A_379, %get3A_380] : memref<5x64x128xf32, #tpu.memory_space<vmem>>, vector<1x8x128xf32>
    %get3A_382 = arith.constant 2 : index
    %get3A_383 = arith.constant 32 : index
    %get3A_384 = arith.constant 0 : index
    %get3A_385 = vector.load %arg3[%get3A_382, %get3A_383, %get3A_384] : memref<5x64x128xf32, #tpu.memory_space<vmem>>, vector<1x8x128xf32>
    %get3A_386 = arith.constant 3 : index
    %get3A_387 = arith.constant 32 : index
    %get3A_388 = arith.constant 0 : index
    %get3A_389 = vector.load %arg3[%get3A_386, %get3A_387, %get3A_388] : memref<5x64x128xf32, #tpu.memory_space<vmem>>, vector<1x8x128xf32>
    %get3A_390 = arith.constant 4 : index
    %get3A_391 = arith.constant 32 : index
    %get3A_392 = arith.constant 0 : index
    %get3A_393 = vector.load %arg3[%get3A_390, %get3A_391, %get3A_392] : memref<5x64x128xf32, #tpu.memory_space<vmem>>, vector<1x8x128xf32>
    %get3A_394 = arith.constant 0 : index
    %get3A_395 = arith.constant 32 : index
    %get3A_396 = arith.constant 0 : index
    %get3A_397 = vector.load %arg3[%get3A_394, %get3A_395, %get3A_396] : memref<5x64x128xf32, #tpu.memory_space<vmem>>, vector<1x8x128xf32>
    %ne3A_398 = arith.constant 0.000000e+00 : f32
    %ne3A_399 = vector.broadcast %ne3A_398 : f32 to vector<1x8x128xf32>
    %ne3A_400 = arith.cmpf one, %get3A_397, %ne3A_399 : vector<1x8x128xf32>
    %get3A_401 = arith.constant 0 : index
    %get3A_402 = arith.constant 32 : index
    %get3A_403 = arith.constant 0 : index
    %get3A_404 = vector.load %arg1[%get3A_401, %get3A_402, %get3A_403] : memref<256x64x128xf32, #tpu.memory_space<vmem>>, vector<256x8x128xf32>
    %abs3A_405 = math.absf %get3A_404 : vector<256x8x128xf32>
    %add3A_406 = arith.constant 1.000000e+00 : f32
    %add3A_407 = vector.broadcast %add3A_406 : f32 to vector<256x8x128xf32>
    %add3A_408 = arith.addf %add3A_407, %abs3A_405 : vector<256x8x128xf32>
    %div3A_409 = arith.divf %get3A_404, %add3A_408 : vector<256x8x128xf32>
    %gt3A_410 = vector.broadcast %max3A_374 : vector<1x8x128xf32> to vector<256x8x128xf32>
    %gt3A_411 = arith.cmpf ogt, %div3A_409, %gt3A_410 : vector<256x8x128xf32>
    %broadcast_in_dim3A_412 = vector.shape_cast %get3A_393 : vector<1x8x128xf32> to vector<1x8x128xf32>
    %broadcast_in_dim3A_413 = vector.broadcast %broadcast_in_dim3A_412 : vector<1x8x128xf32> to vector<256x8x128xf32>
    %broadcast_in_dim3A_414 = vector.shape_cast %get3A_389 : vector<1x8x128xf32> to vector<1x8x128xf32>
    %broadcast_in_dim3A_415 = vector.broadcast %broadcast_in_dim3A_414 : vector<1x8x128xf32> to vector<256x8x128xf32>
    %select_n3A_416 = arith.select %gt3A_411, %broadcast_in_dim3A_413, %broadcast_in_dim3A_415 : vector<256x8x128xi1>, vector<256x8x128xf32>
    %gt3A_417 = vector.broadcast %min3A_377 : vector<1x8x128xf32> to vector<256x8x128xf32>
    %gt3A_418 = arith.cmpf ogt, %div3A_409, %gt3A_417 : vector<256x8x128xf32>
    %broadcast_in_dim3A_419 = vector.shape_cast %get3A_385 : vector<1x8x128xf32> to vector<1x8x128xf32>
    %broadcast_in_dim3A_420 = vector.broadcast %broadcast_in_dim3A_419 : vector<1x8x128xf32> to vector<256x8x128xf32>
    %broadcast_in_dim3A_421 = vector.shape_cast %get3A_381 : vector<1x8x128xf32> to vector<1x8x128xf32>
    %broadcast_in_dim3A_422 = vector.broadcast %broadcast_in_dim3A_421 : vector<1x8x128xf32> to vector<256x8x128xf32>
    %select_n3A_423 = arith.select %gt3A_418, %broadcast_in_dim3A_420, %broadcast_in_dim3A_422 : vector<256x8x128xi1>, vector<256x8x128xf32>
    %gt3A_424 = vector.broadcast %max3A_376 : vector<1x8x128xf32> to vector<256x8x128xf32>
    %gt3A_425 = arith.cmpf ogt, %div3A_409, %gt3A_424 : vector<256x8x128xf32>
    %select_n3A_426 = arith.select %gt3A_425, %select_n3A_416, %select_n3A_423 : vector<256x8x128xi1>, vector<256x8x128xf32>
    %broadcast_in_dim3A_427 = vector.shape_cast %ne3A_400 : vector<1x8x128xi1> to vector<1x8x128xi1>
    %broadcast_in_dim3A_428 = vector.broadcast %broadcast_in_dim3A_427 : vector<1x8x128xi1> to vector<256x8x128xi1>
    %select_n3A_429 = arith.select %broadcast_in_dim3A_428, %select_n3A_426, %div3A_409 : vector<256x8x128xi1>, vector<256x8x128xf32>
    %swap3A_430 = arith.constant 0 : index
    %swap3A_431 = arith.constant 32 : index
    %swap3A_432 = arith.constant 0 : index
    %swap3A_433 = vector.load %arg4[%swap3A_430, %swap3A_431, %swap3A_432] : memref<256x64x128xf32, #tpu.memory_space<vmem>>, vector<256x8x128xf32>
    tpu.vector_store %arg4[%swap3A_430, %swap3A_431, %swap3A_432], %select_n3A_429 {strides = array<i32>} : memref<256x64x128xf32, #tpu.memory_space<vmem>>, vector<256x8x128xf32>,
    %get3A_434 = arith.constant 0 : index
    %get3A_435 = arith.constant 40 : index
    %get3A_436 = arith.constant 0 : index
    %get3A_437 = vector.load %arg2[%get3A_434, %get3A_435, %get3A_436] : memref<3x64x128xf32, #tpu.memory_space<vmem>>, vector<1x8x128xf32>
    %abs3A_438 = math.absf %get3A_437 : vector<1x8x128xf32>
    %add3A_439 = arith.constant 1.000000e+00 : f32
    %add3A_440 = vector.broadcast %add3A_439 : f32 to vector<1x8x128xf32>
    %add3A_441 = arith.addf %add3A_440, %abs3A_438 : vector<1x8x128xf32>
    %div3A_442 = arith.divf %get3A_437, %add3A_441 : vector<1x8x128xf32>
    %get3A_443 = arith.constant 1 : index
    %get3A_444 = arith.constant 40 : index
    %get3A_445 = arith.constant 0 : index
    %get3A_446 = vector.load %arg2[%get3A_443, %get3A_444, %get3A_445] : memref<3x64x128xf32, #tpu.memory_space<vmem>>, vector<1x8x128xf32>
    %abs3A_447 = math.absf %get3A_446 : vector<1x8x128xf32>
    %add3A_448 = arith.constant 1.000000e+00 : f32
    %add3A_449 = vector.broadcast %add3A_448 : f32 to vector<1x8x128xf32>
    %add3A_450 = arith.addf %add3A_449, %abs3A_447 : vector<1x8x128xf32>
    %div3A_451 = arith.divf %get3A_446, %add3A_450 : vector<1x8x128xf32>
    %get3A_452 = arith.constant 2 : index
    %get3A_453 = arith.constant 40 : index
    %get3A_454 = arith.constant 0 : index
    %get3A_455 = vector.load %arg2[%get3A_452, %get3A_453, %get3A_454] : memref<3x64x128xf32, #tpu.memory_space<vmem>>, vector<1x8x128xf32>
    %abs3A_456 = math.absf %get3A_455 : vector<1x8x128xf32>
    %add3A_457 = arith.constant 1.000000e+00 : f32
    %add3A_458 = vector.broadcast %add3A_457 : f32 to vector<1x8x128xf32>
    %add3A_459 = arith.addf %add3A_458, %abs3A_456 : vector<1x8x128xf32>
    %div3A_460 = arith.divf %get3A_455, %add3A_459 : vector<1x8x128xf32>
    %min3A_461 = arith.minimumf %div3A_442, %div3A_451 : vector<1x8x128xf32>
    %max3A_462 = arith.maximumf %div3A_442, %div3A_451 : vector<1x8x128xf32>
    %max3A_463 = arith.maximumf %max3A_462, %div3A_460 : vector<1x8x128xf32>
    %min3A_464 = arith.minimumf %max3A_462, %div3A_460 : vector<1x8x128xf32>
    %max3A_465 = arith.maximumf %min3A_461, %min3A_464 : vector<1x8x128xf32>
    %min3A_466 = arith.minimumf %min3A_461, %min3A_464 : vector<1x8x128xf32>
    %get3A_467 = arith.constant 1 : index
    %get3A_468 = arith.constant 40 : index
    %get3A_469 = arith.constant 0 : index
    %get3A_470 = vector.load %arg3[%get3A_467, %get3A_468, %get3A_469] : memref<5x64x128xf32, #tpu.memory_space<vmem>>, vector<1x8x128xf32>
    %get3A_471 = arith.constant 2 : index
    %get3A_472 = arith.constant 40 : index
    %get3A_473 = arith.constant 0 : index
    %get3A_474 = vector.load %arg3[%get3A_471, %get3A_472, %get3A_473] : memref<5x64x128xf32, #tpu.memory_space<vmem>>, vector<1x8x128xf32>
    %get3A_475 = arith.constant 3 : index
    %get3A_476 = arith.constant 40 : index
    %get3A_477 = arith.constant 0 : index
    %get3A_478 = vector.load %arg3[%get3A_475, %get3A_476, %get3A_477] : memref<5x64x128xf32, #tpu.memory_space<vmem>>, vector<1x8x128xf32>
    %get3A_479 = arith.constant 4 : index
    %get3A_480 = arith.constant 40 : index
    %get3A_481 = arith.constant 0 : index
    %get3A_482 = vector.load %arg3[%get3A_479, %get3A_480, %get3A_481] : memref<5x64x128xf32, #tpu.memory_space<vmem>>, vector<1x8x128xf32>
    %get3A_483 = arith.constant 0 : index
    %get3A_484 = arith.constant 40 : index
    %get3A_485 = arith.constant 0 : index
    %get3A_486 = vector.load %arg3[%get3A_483, %get3A_484, %get3A_485] : memref<5x64x128xf32, #tpu.memory_space<vmem>>, vector<1x8x128xf32>
    %ne3A_487 = arith.constant 0.000000e+00 : f32
    %ne3A_488 = vector.broadcast %ne3A_487 : f32 to vector<1x8x128xf32>
    %ne3A_489 = arith.cmpf one, %get3A_486, %ne3A_488 : vector<1x8x128xf32>
    %get3A_490 = arith.constant 0 : index
    %get3A_491 = arith.constant 40 : index
    %get3A_492 = arith.constant 0 : index
    %get3A_493 = vector.load %arg1[%get3A_490, %get3A_491, %get3A_492] : memref<256x64x128xf32, #tpu.memory_space<vmem>>, vector<256x8x128xf32>
    %abs3A_494 = math.absf %get3A_493 : vector<256x8x128xf32>
    %add3A_495 = arith.constant 1.000000e+00 : f32
    %add3A_496 = vector.broadcast %add3A_495 : f32 to vector<256x8x128xf32>
    %add3A_497 = arith.addf %add3A_496, %abs3A_494 : vector<256x8x128xf32>
    %div3A_498 = arith.divf %get3A_493, %add3A_497 : vector<256x8x128xf32>
    %gt3A_499 = vector.broadcast %max3A_463 : vector<1x8x128xf32> to vector<256x8x128xf32>
    %gt3A_500 = arith.cmpf ogt, %div3A_498, %gt3A_499 : vector<256x8x128xf32>
    %broadcast_in_dim3A_501 = vector.shape_cast %get3A_482 : vector<1x8x128xf32> to vector<1x8x128xf32>
    %broadcast_in_dim3A_502 = vector.broadcast %broadcast_in_dim3A_501 : vector<1x8x128xf32> to vector<256x8x128xf32>
    %broadcast_in_dim3A_503 = vector.shape_cast %get3A_478 : vector<1x8x128xf32> to vector<1x8x128xf32>
    %broadcast_in_dim3A_504 = vector.broadcast %broadcast_in_dim3A_503 : vector<1x8x128xf32> to vector<256x8x128xf32>
    %select_n3A_505 = arith.select %gt3A_500, %broadcast_in_dim3A_502, %broadcast_in_dim3A_504 : vector<256x8x128xi1>, vector<256x8x128xf32>
    %gt3A_506 = vector.broadcast %min3A_466 : vector<1x8x128xf32> to vector<256x8x128xf32>
    %gt3A_507 = arith.cmpf ogt, %div3A_498, %gt3A_506 : vector<256x8x128xf32>
    %broadcast_in_dim3A_508 = vector.shape_cast %get3A_474 : vector<1x8x128xf32> to vector<1x8x128xf32>
    %broadcast_in_dim3A_509 = vector.broadcast %broadcast_in_dim3A_508 : vector<1x8x128xf32> to vector<256x8x128xf32>
    %broadcast_in_dim3A_510 = vector.shape_cast %get3A_470 : vector<1x8x128xf32> to vector<1x8x128xf32>
    %broadcast_in_dim3A_511 = vector.broadcast %broadcast_in_dim3A_510 : vector<1x8x128xf32> to vector<256x8x128xf32>
    %select_n3A_512 = arith.select %gt3A_507, %broadcast_in_dim3A_509, %broadcast_in_dim3A_511 : vector<256x8x128xi1>, vector<256x8x128xf32>
    %gt3A_513 = vector.broadcast %max3A_465 : vector<1x8x128xf32> to vector<256x8x128xf32>
    %gt3A_514 = arith.cmpf ogt, %div3A_498, %gt3A_513 : vector<256x8x128xf32>
    %select_n3A_515 = arith.select %gt3A_514, %select_n3A_505, %select_n3A_512 : vector<256x8x128xi1>, vector<256x8x128xf32>
    %broadcast_in_dim3A_516 = vector.shape_cast %ne3A_489 : vector<1x8x128xi1> to vector<1x8x128xi1>
    %broadcast_in_dim3A_517 = vector.broadcast %broadcast_in_dim3A_516 : vector<1x8x128xi1> to vector<256x8x128xi1>
    %select_n3A_518 = arith.select %broadcast_in_dim3A_517, %select_n3A_515, %div3A_498 : vector<256x8x128xi1>, vector<256x8x128xf32>
    %swap3A_519 = arith.constant 0 : index
    %swap3A_520 = arith.constant 40 : index
    %swap3A_521 = arith.constant 0 : index
    %swap3A_522 = vector.load %arg4[%swap3A_519, %swap3A_520, %swap3A_521] : memref<256x64x128xf32, #tpu.memory_space<vmem>>, vector<256x8x128xf32>
    tpu.vector_store %arg4[%swap3A_519, %swap3A_520, %swap3A_521], %select_n3A_518 {strides = array<i32>} : memref<256x64x128xf32, #tpu.memory_space<vmem>>, vector<256x8x128xf32>,
    %get3A_523 = arith.constant 0 : index
    %get3A_524 = arith.constant 48 : index
    %get3A_525 = arith.constant 0 : index
    %get3A_526 = vector.load %arg2[%get3A_523, %get3A_524, %get3A_525] : memref<3x64x128xf32, #tpu.memory_space<vmem>>, vector<1x8x128xf32>
    %abs3A_527 = math.absf %get3A_526 : vector<1x8x128xf32>
    %add3A_528 = arith.constant 1.000000e+00 : f32
    %add3A_529 = vector.broadcast %add3A_528 : f32 to vector<1x8x128xf32>
    %add3A_530 = arith.addf %add3A_529, %abs3A_527 : vector<1x8x128xf32>
    %div3A_531 = arith.divf %get3A_526, %add3A_530 : vector<1x8x128xf32>
    %get3A_532 = arith.constant 1 : index
    %get3A_533 = arith.constant 48 : index
    %get3A_534 = arith.constant 0 : index
    %get3A_535 = vector.load %arg2[%get3A_532, %get3A_533, %get3A_534] : memref<3x64x128xf32, #tpu.memory_space<vmem>>, vector<1x8x128xf32>
    %abs3A_536 = math.absf %get3A_535 : vector<1x8x128xf32>
    %add3A_537 = arith.constant 1.000000e+00 : f32
    %add3A_538 = vector.broadcast %add3A_537 : f32 to vector<1x8x128xf32>
    %add3A_539 = arith.addf %add3A_538, %abs3A_536 : vector<1x8x128xf32>
    %div3A_540 = arith.divf %get3A_535, %add3A_539 : vector<1x8x128xf32>
    %get3A_541 = arith.constant 2 : index
    %get3A_542 = arith.constant 48 : index
    %get3A_543 = arith.constant 0 : index
    %get3A_544 = vector.load %arg2[%get3A_541, %get3A_542, %get3A_543] : memref<3x64x128xf32, #tpu.memory_space<vmem>>, vector<1x8x128xf32>
    %abs3A_545 = math.absf %get3A_544 : vector<1x8x128xf32>
    %add3A_546 = arith.constant 1.000000e+00 : f32
    %add3A_547 = vector.broadcast %add3A_546 : f32 to vector<1x8x128xf32>
    %add3A_548 = arith.addf %add3A_547, %abs3A_545 : vector<1x8x128xf32>
    %div3A_549 = arith.divf %get3A_544, %add3A_548 : vector<1x8x128xf32>
    %min3A_550 = arith.minimumf %div3A_531, %div3A_540 : vector<1x8x128xf32>
    %max3A_551 = arith.maximumf %div3A_531, %div3A_540 : vector<1x8x128xf32>
    %max3A_552 = arith.maximumf %max3A_551, %div3A_549 : vector<1x8x128xf32>
    %min3A_553 = arith.minimumf %max3A_551, %div3A_549 : vector<1x8x128xf32>
    %max3A_554 = arith.maximumf %min3A_550, %min3A_553 : vector<1x8x128xf32>
    %min3A_555 = arith.minimumf %min3A_550, %min3A_553 : vector<1x8x128xf32>
    %get3A_556 = arith.constant 1 : index
    %get3A_557 = arith.constant 48 : index
    %get3A_558 = arith.constant 0 : index
    %get3A_559 = vector.load %arg3[%get3A_556, %get3A_557, %get3A_558] : memref<5x64x128xf32, #tpu.memory_space<vmem>>, vector<1x8x128xf32>
    %get3A_560 = arith.constant 2 : index
    %get3A_561 = arith.constant 48 : index
    %get3A_562 = arith.constant 0 : index
    %get3A_563 = vector.load %arg3[%get3A_560, %get3A_561, %get3A_562] : memref<5x64x128xf32, #tpu.memory_space<vmem>>, vector<1x8x128xf32>
    %get3A_564 = arith.constant 3 : index
    %get3A_565 = arith.constant 48 : index
    %get3A_566 = arith.constant 0 : index
    %get3A_567 = vector.load %arg3[%get3A_564, %get3A_565, %get3A_566] : memref<5x64x128xf32, #tpu.memory_space<vmem>>, vector<1x8x128xf32>
    %get3A_568 = arith.constant 4 : index
    %get3A_569 = arith.constant 48 : index
    %get3A_570 = arith.constant 0 : index
    %get3A_571 = vector.load %arg3[%get3A_568, %get3A_569, %get3A_570] : memref<5x64x128xf32, #tpu.memory_space<vmem>>, vector<1x8x128xf32>
    %get3A_572 = arith.constant 0 : index
    %get3A_573 = arith.constant 48 : index
    %get3A_574 = arith.constant 0 : index
    %get3A_575 = vector.load %arg3[%get3A_572, %get3A_573, %get3A_574] : memref<5x64x128xf32, #tpu.memory_space<vmem>>, vector<1x8x128xf32>
    %ne3A_576 = arith.constant 0.000000e+00 : f32
    %ne3A_577 = vector.broadcast %ne3A_576 : f32 to vector<1x8x128xf32>
    %ne3A_578 = arith.cmpf one, %get3A_575, %ne3A_577 : vector<1x8x128xf32>
    %get3A_579 = arith.constant 0 : index
    %get3A_580 = arith.constant 48 : index
    %get3A_581 = arith.constant 0 : index
    %get3A_582 = vector.load %arg1[%get3A_579, %get3A_580, %get3A_581] : memref<256x64x128xf32, #tpu.memory_space<vmem>>, vector<256x8x128xf32>
    %abs3A_583 = math.absf %get3A_582 : vector<256x8x128xf32>
    %add3A_584 = arith.constant 1.000000e+00 : f32
    %add3A_585 = vector.broadcast %add3A_584 : f32 to vector<256x8x128xf32>
    %add3A_586 = arith.addf %add3A_585, %abs3A_583 : vector<256x8x128xf32>
    %div3A_587 = arith.divf %get3A_582, %add3A_586 : vector<256x8x128xf32>
    %gt3A_588 = vector.broadcast %max3A_552 : vector<1x8x128xf32> to vector<256x8x128xf32>
    %gt3A_589 = arith.cmpf ogt, %div3A_587, %gt3A_588 : vector<256x8x128xf32>
    %broadcast_in_dim3A_590 = vector.shape_cast %get3A_571 : vector<1x8x128xf32> to vector<1x8x128xf32>
    %broadcast_in_dim3A_591 = vector.broadcast %broadcast_in_dim3A_590 : vector<1x8x128xf32> to vector<256x8x128xf32>
    %broadcast_in_dim3A_592 = vector.shape_cast %get3A_567 : vector<1x8x128xf32> to vector<1x8x128xf32>
    %broadcast_in_dim3A_593 = vector.broadcast %broadcast_in_dim3A_592 : vector<1x8x128xf32> to vector<256x8x128xf32>
    %select_n3A_594 = arith.select %gt3A_589, %broadcast_in_dim3A_591, %broadcast_in_dim3A_593 : vector<256x8x128xi1>, vector<256x8x128xf32>
    %gt3A_595 = vector.broadcast %min3A_555 : vector<1x8x128xf32> to vector<256x8x128xf32>
    %gt3A_596 = arith.cmpf ogt, %div3A_587, %gt3A_595 : vector<256x8x128xf32>
    %broadcast_in_dim3A_597 = vector.shape_cast %get3A_563 : vector<1x8x128xf32> to vector<1x8x128xf32>
    %broadcast_in_dim3A_598 = vector.broadcast %broadcast_in_dim3A_597 : vector<1x8x128xf32> to vector<256x8x128xf32>
    %broadcast_in_dim3A_599 = vector.shape_cast %get3A_559 : vector<1x8x128xf32> to vector<1x8x128xf32>
    %broadcast_in_dim3A_600 = vector.broadcast %broadcast_in_dim3A_599 : vector<1x8x128xf32> to vector<256x8x128xf32>
    %select_n3A_601 = arith.select %gt3A_596, %broadcast_in_dim3A_598, %broadcast_in_dim3A_600 : vector<256x8x128xi1>, vector<256x8x128xf32>
    %gt3A_602 = vector.broadcast %max3A_554 : vector<1x8x128xf32> to vector<256x8x128xf32>
    %gt3A_603 = arith.cmpf ogt, %div3A_587, %gt3A_602 : vector<256x8x128xf32>
    %select_n3A_604 = arith.select %gt3A_603, %select_n3A_594, %select_n3A_601 : vector<256x8x128xi1>, vector<256x8x128xf32>
    %broadcast_in_dim3A_605 = vector.shape_cast %ne3A_578 : vector<1x8x128xi1> to vector<1x8x128xi1>
    %broadcast_in_dim3A_606 = vector.broadcast %broadcast_in_dim3A_605 : vector<1x8x128xi1> to vector<256x8x128xi1>
    %select_n3A_607 = arith.select %broadcast_in_dim3A_606, %select_n3A_604, %div3A_587 : vector<256x8x128xi1>, vector<256x8x128xf32>
    %swap3A_608 = arith.constant 0 : index
    %swap3A_609 = arith.constant 48 : index
    %swap3A_610 = arith.constant 0 : index
    %swap3A_611 = vector.load %arg4[%swap3A_608, %swap3A_609, %swap3A_610] : memref<256x64x128xf32, #tpu.memory_space<vmem>>, vector<256x8x128xf32>
    tpu.vector_store %arg4[%swap3A_608, %swap3A_609, %swap3A_610], %select_n3A_607 {strides = array<i32>} : memref<256x64x128xf32, #tpu.memory_space<vmem>>, vector<256x8x128xf32>,
    %get3A_612 = arith.constant 0 : index
    %get3A_613 = arith.constant 56 : index
    %get3A_614 = arith.constant 0 : index
    %get3A_615 = vector.load %arg2[%get3A_612, %get3A_613, %get3A_614] : memref<3x64x128xf32, #tpu.memory_space<vmem>>, vector<1x8x128xf32>
    %abs3A_616 = math.absf %get3A_615 : vector<1x8x128xf32>
    %add3A_617 = arith.constant 1.000000e+00 : f32
    %add3A_618 = vector.broadcast %add3A_617 : f32 to vector<1x8x128xf32>
    %add3A_619 = arith.addf %add3A_618, %abs3A_616 : vector<1x8x128xf32>
    %div3A_620 = arith.divf %get3A_615, %add3A_619 : vector<1x8x128xf32>
    %get3A_621 = arith.constant 1 : index
    %get3A_622 = arith.constant 56 : index
    %get3A_623 = arith.constant 0 : index
    %get3A_624 = vector.load %arg2[%get3A_621, %get3A_622, %get3A_623] : memref<3x64x128xf32, #tpu.memory_space<vmem>>, vector<1x8x128xf32>
    %abs3A_625 = math.absf %get3A_624 : vector<1x8x128xf32>
    %add3A_626 = arith.constant 1.000000e+00 : f32
    %add3A_627 = vector.broadcast %add3A_626 : f32 to vector<1x8x128xf32>
    %add3A_628 = arith.addf %add3A_627, %abs3A_625 : vector<1x8x128xf32>
    %div3A_629 = arith.divf %get3A_624, %add3A_628 : vector<1x8x128xf32>
    %get3A_630 = arith.constant 2 : index
    %get3A_631 = arith.constant 56 : index
    %get3A_632 = arith.constant 0 : index
    %get3A_633 = vector.load %arg2[%get3A_630, %get3A_631, %get3A_632] : memref<3x64x128xf32, #tpu.memory_space<vmem>>, vector<1x8x128xf32>
    %abs3A_634 = math.absf %get3A_633 : vector<1x8x128xf32>
    %add3A_635 = arith.constant 1.000000e+00 : f32
    %add3A_636 = vector.broadcast %add3A_635 : f32 to vector<1x8x128xf32>
    %add3A_637 = arith.addf %add3A_636, %abs3A_634 : vector<1x8x128xf32>
    %div3A_638 = arith.divf %get3A_633, %add3A_637 : vector<1x8x128xf32>
    %min3A_639 = arith.minimumf %div3A_620, %div3A_629 : vector<1x8x128xf32>
    %max3A_640 = arith.maximumf %div3A_620, %div3A_629 : vector<1x8x128xf32>
    %max3A_641 = arith.maximumf %max3A_640, %div3A_638 : vector<1x8x128xf32>
    %min3A_642 = arith.minimumf %max3A_640, %div3A_638 : vector<1x8x128xf32>
    %max3A_643 = arith.maximumf %min3A_639, %min3A_642 : vector<1x8x128xf32>
    %min3A_644 = arith.minimumf %min3A_639, %min3A_642 : vector<1x8x128xf32>
    %get3A_645 = arith.constant 1 : index
    %get3A_646 = arith.constant 56 : index
    %get3A_647 = arith.constant 0 : index
    %get3A_648 = vector.load %arg3[%get3A_645, %get3A_646, %get3A_647] : memref<5x64x128xf32, #tpu.memory_space<vmem>>, vector<1x8x128xf32>
    %get3A_649 = arith.constant 2 : index
    %get3A_650 = arith.constant 56 : index
    %get3A_651 = arith.constant 0 : index
    %get3A_652 = vector.load %arg3[%get3A_649, %get3A_650, %get3A_651] : memref<5x64x128xf32, #tpu.memory_space<vmem>>, vector<1x8x128xf32>
    %get3A_653 = arith.constant 3 : index
    %get3A_654 = arith.constant 56 : index
    %get3A_655 = arith.constant 0 : index
    %get3A_656 = vector.load %arg3[%get3A_653, %get3A_654, %get3A_655] : memref<5x64x128xf32, #tpu.memory_space<vmem>>, vector<1x8x128xf32>
    %get3A_657 = arith.constant 4 : index
    %get3A_658 = arith.constant 56 : index
    %get3A_659 = arith.constant 0 : index
    %get3A_660 = vector.load %arg3[%get3A_657, %get3A_658, %get3A_659] : memref<5x64x128xf32, #tpu.memory_space<vmem>>, vector<1x8x128xf32>
    %get3A_661 = arith.constant 0 : index
    %get3A_662 = arith.constant 56 : index
    %get3A_663 = arith.constant 0 : index
    %get3A_664 = vector.load %arg3[%get3A_661, %get3A_662, %get3A_663] : memref<5x64x128xf32, #tpu.memory_space<vmem>>, vector<1x8x128xf32>
    %ne3A_665 = arith.constant 0.000000e+00 : f32
    %ne3A_666 = vector.broadcast %ne3A_665 : f32 to vector<1x8x128xf32>
    %ne3A_667 = arith.cmpf one, %get3A_664, %ne3A_666 : vector<1x8x128xf32>
    %get3A_668 = arith.constant 0 : index
    %get3A_669 = arith.constant 56 : index
    %get3A_670 = arith.constant 0 : index
    %get3A_671 = vector.load %arg1[%get3A_668, %get3A_669, %get3A_670] : memref<256x64x128xf32, #tpu.memory_space<vmem>>, vector<256x8x128xf32>
    %abs3A_672 = math.absf %get3A_671 : vector<256x8x128xf32>
    %add3A_673 = arith.constant 1.000000e+00 : f32
    %add3A_674 = vector.broadcast %add3A_673 : f32 to vector<256x8x128xf32>
    %add3A_675 = arith.addf %add3A_674, %abs3A_672 : vector<256x8x128xf32>
    %div3A_676 = arith.divf %get3A_671, %add3A_675 : vector<256x8x128xf32>
    %gt3A_677 = vector.broadcast %max3A_641 : vector<1x8x128xf32> to vector<256x8x128xf32>
    %gt3A_678 = arith.cmpf ogt, %div3A_676, %gt3A_677 : vector<256x8x128xf32>
    %broadcast_in_dim3A_679 = vector.shape_cast %get3A_660 : vector<1x8x128xf32> to vector<1x8x128xf32>
    %broadcast_in_dim3A_680 = vector.broadcast %broadcast_in_dim3A_679 : vector<1x8x128xf32> to vector<256x8x128xf32>
    %broadcast_in_dim3A_681 = vector.shape_cast %get3A_656 : vector<1x8x128xf32> to vector<1x8x128xf32>
    %broadcast_in_dim3A_682 = vector.broadcast %broadcast_in_dim3A_681 : vector<1x8x128xf32> to vector<256x8x128xf32>
    %select_n3A_683 = arith.select %gt3A_678, %broadcast_in_dim3A_680, %broadcast_in_dim3A_682 : vector<256x8x128xi1>, vector<256x8x128xf32>
    %gt3A_684 = vector.broadcast %min3A_644 : vector<1x8x128xf32> to vector<256x8x128xf32>
    %gt3A_685 = arith.cmpf ogt, %div3A_676, %gt3A_684 : vector<256x8x128xf32>
    %broadcast_in_dim3A_686 = vector.shape_cast %get3A_652 : vector<1x8x128xf32> to vector<1x8x128xf32>
    %broadcast_in_dim3A_687 = vector.broadcast %broadcast_in_dim3A_686 : vector<1x8x128xf32> to vector<256x8x128xf32>
    %broadcast_in_dim3A_688 = vector.shape_cast %get3A_648 : vector<1x8x128xf32> to vector<1x8x128xf32>
    %broadcast_in_dim3A_689 = vector.broadcast %broadcast_in_dim3A_688 : vector<1x8x128xf32> to vector<256x8x128xf32>
    %select_n3A_690 = arith.select %gt3A_685, %broadcast_in_dim3A_687, %broadcast_in_dim3A_689 : vector<256x8x128xi1>, vector<256x8x128xf32>
    %gt3A_691 = vector.broadcast %max3A_643 : vector<1x8x128xf32> to vector<256x8x128xf32>
    %gt3A_692 = arith.cmpf ogt, %div3A_676, %gt3A_691 : vector<256x8x128xf32>
    %select_n3A_693 = arith.select %gt3A_692, %select_n3A_683, %select_n3A_690 : vector<256x8x128xi1>, vector<256x8x128xf32>
    %broadcast_in_dim3A_694 = vector.shape_cast %ne3A_667 : vector<1x8x128xi1> to vector<1x8x128xi1>
    %broadcast_in_dim3A_695 = vector.broadcast %broadcast_in_dim3A_694 : vector<1x8x128xi1> to vector<256x8x128xi1>
    %select_n3A_696 = arith.select %broadcast_in_dim3A_695, %select_n3A_693, %div3A_676 : vector<256x8x128xi1>, vector<256x8x128xf32>
    %swap3A_697 = arith.constant 0 : index
    %swap3A_698 = arith.constant 56 : index
    %swap3A_699 = arith.constant 0 : index
    %swap3A_700 = vector.load %arg4[%swap3A_697, %swap3A_698, %swap3A_699] : memref<256x64x128xf32, #tpu.memory_space<vmem>>, vector<256x8x128xf32>
    tpu.vector_store %arg4[%swap3A_697, %swap3A_698, %swap3A_699], %select_n3A_696 {strides = array<i32>} : memref<256x64x128xf32, #tpu.memory_space<vmem>>, vector<256x8x128xf32>,
    return
  }
  func.func @transform_0(%arg0: i32) -> (i32, i32, i32) {
    %c0_i32 = arith.constant 0 : i32
    %c0_i32_0 = arith.constant 0 : i32
    %c0_i32_1 = arith.constant 0 : i32
    return %arg0, %c0_i32, %c0_i32_0 : i32, i32, i32
  }
  func.func @transform_1(%arg0: i32) -> (i32, i32, i32) {
    %c0_i32 = arith.constant 0 : i32
    %c0_i32_0 = arith.constant 0 : i32
    %c0_i32_1 = arith.constant 0 : i32
    %c0_i32_2 = arith.constant 0 : i32
    return %c0_i32, %c0_i32_0, %c0_i32_1 : i32, i32, i32
  }
  func.func @transform_2(%arg0: i32) -> (i32, i32, i32) {
    %c0_i32 = arith.constant 0 : i32
    %c0_i32_0 = arith.constant 0 : i32
    %c0_i32_1 = arith.constant 0 : i32
    %c0_i32_2 = arith.constant 0 : i32
    return %c0_i32, %c0_i32_0, %c0_i32_1 : i32, i32, i32
  }
  func.func @transform_3(%arg0: i32) -> (i32, i32, i32) {
    %c0_i32 = arith.constant 0 : i32
    %c0_i32_0 = arith.constant 0 : i32
    %c0_i32_1 = arith.constant 0 : i32
    return %arg0, %c0_i32, %c0_i32_0 : i32, i32, i32
  }
}

</mosaic_0001>

<sc_bundles>
// kernel: kernel.4.cloned.1.call-start
scs
__scs_entry_jumppad:
0x0: {  	(pc) =	sbr.rel $0x88, $3  }
0x1: {  	(tag) =	ssettag $0x0;
	lr =	simm.s32 $0x1  }
0x2: {  	[smem:$0x3FA0] =	sst lr;
	_ =	strace $0xD0000000  }
0x3: {  	_ = 	snop  }
0x4: {  	_ = 	snop  }
0x5: {  	_ = 	snop  }
0x6: {  	_ = 	snop  }
0x7: {  	_ = 	snop  }
__scs_overlays_trampoline_lowered:
0x8: {  	[smem:$0x3FAF] =	sst s0  }
0x9: {  	[smem:$0x3FB0] =	sst s1  }
0xa: {  	[smem:$0x3FB1] =	sst s2  }
0xb: {  	[smem:$0x3FB2] =	sst s3  }
0xc: {  	[smem:$0x3FB3] =	sst s4  }
0xd: {  	[smem:$0x3FB4] =	sst s5  }
0xe: {  	[smem:$0x3FB5] =	sst s6  }
0xf: {  	[smem:$0x3FB6] =	sst s7  }
0x10: {  	[smem:$0x3FB7] =	sst s8  }
0x11: {  	[smem:$0x3FB8] =	sst s9;
	s0 =	simm.s32 @!p0 $0x0  }
0x12: {  	s1 =	sld [smem:$0x3F9E];
	s0 =	simm.s32 @p0 $0x1  }
0x13: {  	[smem:$0x3FB9] =	sst s0;
	s0 =	simm.s32 @!p1 $0x0  }
0x14: {  	s2 =	sld [smem:$0x3F9D];
	s0 =	simm.s32 @p1 $0x1  }
0x15: {  	[smem:$0x3FBA] =	sst s0;
	s0 =	simm.s32 @!p2 $0x0  }
0x16: {  	s3 =	sld [smem:$0x3FDB];
	s0 =	simm.s32 @p2 $0x1  }
0x17: {  	s4 =	simm.s32 $0x1BF5;
	[smem:$0x3FBC] =	sst s0  }
0x18: {  	s0 =	sld [smem:$0x3F9F];
	_ =	swait.ge [sflag:s4], $0x0  }
0x19: {  	s7 =	sld [smem:$0x3FA0]  }
0x1a: {  	s8 =	sadd.s32 $0xFFFFE003, lr  }
0x1b: {  	s9 =	sadd.s32 $0xFFFFFEF7, lr;
	s5 =	simm.s32 $0xFFFFFFFF;
	p2 =	slt.u32 s8, $0xFFFFF086  }
0x1c: {  	p1 =	slt.u32 s9, $0xF7A;
	s5 =	simm.s32 @!p2 $0x0  }
0x1d: {  	s5 =	simm.s32 @p1 $0x1;
	p0 =	seq.s32 s7, s2  }
0x1e: {  	s7 =	smul.u32 @!p0 $0xF7A, s2;
	p2 =	seq.s32 @!p0 s5, $0x0  }
0x1f: {  	s9 =	smul.u32 $0xF7A, s1;
	s8 =	simm.s32 @!p0 $0x1BF5;
	p2 =	por !p2, p0  }
0x20: {  	[sflag:s8] =	ssyncset.s32 @!p0 $0xFFFFF086;
	s6 =	sadd.s32 @!p0 s3, s7;
	s7 =	simm.s32 @!p0 $0x108  }
0x21: {  	s3 =	sadd.s32 s3, s9;
	s6 =	sadd.s32 @!p0 $0x88, s6;
	s7 =	simm.s32 @p2 $0x1082  }
0x22: {  	[simem:s7], [sflag:s8] =	dma.local @!p0 [hbm:s6], $0xF7A  }
0x23: {  	s9 =	sor.u32 $0xD0000000, s2;
	s6 =	simm.s32 $0x108;
	_ =	swait.ge @!p0 [sflag:s8], $0x0  }
0x24: {  	s3 =	sadd.s32 $0x88, s3;
	s6 =	simm.s32 @!p1 $0x1082;
	[sflag:s4] =	ssyncset.s32 $0xFFFFF086  }
0x25: {  	[simem:s6], [sflag:s4] =	dma.local [hbm:s3], $0xF7A  }
0x26: {  	[smem:$0x3FA0] =	sst s1;
	(tag) =	ssettag s2;
	_ =	strace s9  }
0x27: {  	s1 =	sld [smem:$0x3FB0]  }
0x28: {  	s2 =	sld [smem:$0x3FB1]  }
0x29: {  	s4 =	sld [smem:$0x3FB3]  }
0x2a: {  	p0 =	seq.s32 s5, $0x0;
	s5 =	sld [smem:$0x3FB4]  }
0x2b: {  	s6 =	sld [smem:$0x3FB5]  }
0x2c: {  	s7 =	sld [smem:$0x3FB6]  }
0x2d: {  	s3 =	simm.s32 $0x108;
	s8 =	sld [smem:$0x3FB7]  }
0x2e: {  	s3 =	simm.s32 @!p0 $0x1082;
	s9 =	sld [smem:$0x3FB8]  }
0x2f: {  	lr =	sadd.s32 s0, s3;
	s0 =	sld [smem:$0x3FAF]  }
0x30: {  	s3 =	sld [smem:$0x3FB2]  }
0x31: {  	[smem:$0x3FBB] =	sst s10  }
0x32: {  	s10 =	sld [smem:$0x3FB9];
	_ =	sdelay $0x3  }
0x33: {  	p0 =	seq.s32 s10, $0x1;
	s10 =	sld [smem:$0x3FBB];
	_ =	sdelay $0x3  }
0x34: {  	[smem:$0x3FBB] =	sst s10  }
0x35: {  	s10 =	sld [smem:$0x3FBA];
	_ =	sdelay $0x3  }
0x36: {  	p1 =	seq.s32 s10, $0x1;
	s10 =	sld [smem:$0x3FBB];
	_ =	sdelay $0x3  }
0x37: {  	[smem:$0x3FBB] =	sst s10  }
0x38: {  	s10 =	sld [smem:$0x3FBC]  }
0x39: {  	_ = 	snop;
	(pc) =	sbr.ind lr, $3  }
0x3a: {  	_ = 	snop  }
0x3b: {  	_ = 	snop  }
0x3c: {  	p2 =	seq.s32 s10, $0x1;
	s10 =	sld [smem:$0x3FBB]  }
0x3d: {  	_ =	shalt  }
0x3e: {  	_ =	shalt  }
0x3f: {  	_ =	shalt  }
0x40: {  	_ =	shalt  }
0x41: {  	_ =	shalt  }
0x42: {  	_ =	shalt  }
0x43: {  	_ =	shalt  }
0x44: {  	_ =	shalt  }
0x45: {  	_ =	shalt  }
0x46: {  	_ =	shalt  }
0x47: {  	_ =	shalt  }
0x48: {  	_ =	shalt  }
0x49: {  	_ =	shalt  }
0x4a: {  	_ =	shalt  }
0x4b: {  	_ =	shalt  }
0x4c: {  	_ =	shalt  }
0x4d: {  	_ =	shalt  }
0x4e: {  	_ =	shalt  }
0x4f: {  	_ =	shalt  }
0x50: {  	_ =	shalt  }
0x51: {  	_ =	shalt  }
0x52: {  	_ =	shalt  }
0x53: {  	_ =	shalt  }
0x54: {  	_ =	shalt  }
0x55: {  	_ =	shalt  }
0x56: {  	_ =	shalt  }
0x57: {  	_ =	shalt  }
0x58: {  	_ =	shalt  }
0x59: {  	_ =	shalt  }
0x5a: {  	_ =	shalt  }
0x5b: {  	_ =	shalt  }
0x5c: {  	_ =	shalt  }
0x5d: {  	_ =	shalt  }
0x5e: {  	_ =	shalt  }
0x5f: {  	_ =	shalt  }
0x60: {  	_ =	shalt  }
0x61: {  	_ =	shalt  }
0x62: {  	_ =	shalt  }
0x63: {  	_ =	shalt  }
0x64: {  	_ =	shalt  }
0x65: {  	_ =	shalt  }
0x66: {  	_ =	shalt  }
0x67: {  	_ =	shalt  }
0x68: {  	_ =	shalt  }
0x69: {  	_ =	shalt  }
0x6a: {  	_ =	shalt  }
0x6b: {  	_ =	shalt  }
0x6c: {  	_ =	shalt  }
0x6d: {  	_ =	shalt  }
0x6e: {  	_ =	shalt  }
0x6f: {  	_ =	shalt  }
0x70: {  	_ =	shalt  }
0x71: {  	_ =	shalt  }
0x72: {  	_ =	shalt  }
0x73: {  	_ =	shalt  }
0x74: {  	_ =	shalt  }
0x75: {  	_ =	shalt  }
0x76: {  	_ =	shalt  }
0x77: {  	_ =	shalt  }
0x78: {  	_ =	shalt  }
0x79: {  	_ =	shalt  }
0x7a: {  	_ =	shalt  }
0x7b: {  	_ =	shalt  }
0x7c: {  	_ =	shalt  }
0x7d: {  	_ =	shalt  }
0x7e: {  	_ =	shalt  }
0x7f: {  	_ =	shalt  }
0x80: {  	_ =	shalt  }
0x81: {  	_ =	shalt  }
0x82: {  	_ =	shalt  }
0x83: {  	_ =	shalt  }
0x84: {  	_ =	shalt  }
0x85: {  	_ =	shalt  }
0x86: {  	_ =	shalt  }
0x87: {  	_ =	shalt  }
.Lfunc_end0:
.L_simem_size_0:
called_computation_lowered:
.L_overlay_start_0:
0x88: {  	s2 =	sld [smem:$0x3FD9]  }
0x89: {  	s3 =	sld [smem:$0x3FFE];
	_ =	sdelay $0x1  }
0x8a: {  	s1 =	srdreg.scid  }
0x8b: {  	s0 =	sand.u32 $0x1, s1  }
0x8c: {  	s17 =	sshll.u32 s0, $0xA;
	s2 =	sadd.s32 s3, s2  }
0x8d: {  	s2 =	sadd.s32 s2, s17  }
0x8e: {  	[smem:$0x3FC7] =	sst s2  }
0x8f: {  	_ = 	snop  }
0x90: {  	s2 =	sld [smem:$0x3FC9]  }
0x91: {  	s18 =	sld [smem:$0x3FD0];
	(tm) =	ssettm $0x1  }
0x92: {  	s4 =	sld [smem:$0x3FFB];
	_ =	sdelay $0x3  }
0x93: {  	_ =	strace s4  }
0x94: {  	s4 =	sld [smem:$0x3FFC];
	_ =	sdelay $0x3  }
0x95: {  	_ =	strace s4  }
0x96: {  	s4 =	sld [smem:$0x3FFD];
	_ =	sdelay $0x3  }
0x97: {  	_ =	strace s4  }
0x98: {  	_ =	strace $0x8FFFFFFF  }
0x99: {  	s19 =	sld [smem:$0x3FDB];
	_ =	sdelay $0x1  }
0x9a: {  	s5 =	simm.s32 $_scs_section_size  }
0x9b: {  	s6 =	simm.s32 $_size__tile_overlayer_lowered;
	s7 =	simm.s32 $_tile_overlayer_lowered  }
0x9c: {  	s22 =	simm.s32 $0x1BFF;
	s21 =	sshll.u32 s7, $0x1;
	s4 =	sadd.s32 s5, s19  }
0x9d: {  	s8 =	simm.s32 $0x0;
	s20 =	sshll.u32 s6, $0x1;
	s6 =	sadd.s32 s21, s4  }
0x9e: {  	[timem:s8], [sflag:s22] =	dma.local [hbm:s6], s20  }
0x9f: {  	_ =	swait.ge [sflag:s22], s20  }
0xa0: {  	s5 =	ssub.s32 $0x0, s20;
	[sflag:s22] =	ssyncset.done $0x0  }
0xa1: {  	[sflag:s22] =	ssyncadd.s32 s5;
	_ =	sdelay $0x1  }
0xa2: {  	s23 =	simm.s32 $0x1B8B  }
0xa3: {  	_ =	swait.ge [sflag:s23], $0x1  }
0xa4: {  	[sflag:s23] =	ssyncset.done $0x0  }
0xa5: {  	s25 =	simm.s32 $0x1B8E;
	s24 =	sld [smem:$0x3FFE];
	[sflag:s23] =	ssyncadd.s32 $0xFFFFFFFF  }
0xa6: {  	s26 =	simm.s32 $execute0_lowered;
	[smem:$0x3FD2] =	sst s25  }
0xa7: {  	s6 =	sshll.u32 s26, $0x1;
	_ =	strace $0x80000046;
	[dreg:$0x1] =	wrdreg $0xFFFFFFFF  }
0xa8: {  	s28 =	simm.s32 $_size_execute0_lowered;
	s4 =	sadd.s32 s4, s6;
	[dreg:$0x0] =	wrdreg $0x0  }
0xa9: {  	s6 =	sshll.u32 s28, $0x1;
	[dreg:$0x2] =	wrdreg s4  }
0xaa: {  	[dreg:$0x3] =	wrdreg s6  }
0xab: {  	[dreg:$0x4] =	wrdreg $0xC0  }
0xac: {  	_ =	task [dreg:s8], $0x5FFFF  }
0xad: {  	[dreg:$0x1] =	wrdreg $0xFFFFFFFF  }
0xae: {  	[dreg:$0x0] =	wrdreg $0x60  }
0xaf: {  	[dreg:$0x2] =	wrdreg s2  }
0xb0: {  	[dreg:$0x3] =	wrdreg s18  }
0xb1: {  	[dreg:$0x4] =	wrdreg s24  }
0xb2: {  	[dreg:$0x5] =	wrdreg $0x9  }
0xb3: {  	_ =	task.clear_ibuf [dreg:s8], $0x6FFFF;
	_ =	strace $0x90000046  }
0xb4: {  	s29 =	simm.s32 $0x9;
	_ =	strace $0x80000048  }
0xb5: {  	_ =	swait.ge [sflag:s29], $0x1  }
0xb6: {  	[sflag:s29] =	ssyncadd.s32 $0xFFFFFFFF  }
0xb7: {  	_ =	strace $0x90000048  }
0xb8: {  	_ =	sfence  }
0xb9: {  	s30 =	sld [smem:$0x0];
	_ =	sdelay $0x2  }
0xba: {  	s31 =	sshll.u32 s1, $0xD;
	s1 =	sshrl.u32 s1, $0x2  }
0xbb: {  	s3 =	sand.u32 $0x4000, s31;
	s1 =	sadd.s32 s1, s30  }
0xbc: {  	s0 =	sor.u32 s3, s0;
	s1 =	sshll.u32 s1, $0x11  }
0xbd: {  	s0 =	sor.u32 s1, s0  }
0xbe: {  	s0 =	sadd.s32 $0x8F2B, s0  }
0xbf: {  	[sflag:s0] =	ssyncadd.remote.s32 $0x1  }
0xc0: {  	_ =	sfence.sel $0xFFFF  }
0xc1: {  	[dreg:$0x0] =	wrdreg $0xFFFFFFFF;
	(pc) =	sbr.abs _section_cstart, $3  }
0xc2: {  	[dreg:$0x1] =	wrdreg $0xFFFFFFFF  }
0xc3: {  	_ =	task.clear_ibuf [dreg:s8], $0x2FFFF;
	_ =	strace $0x9FFFFFFF  }
0xc4: {  	(tm) =	ssettm $0x7FFFFFFF  }
0xc5: {  	_ =	shalt  }
tec
execute0_lowered:
.L_overlay_start_1:
0x0: {  	(tag) =	ssettag $0x1  }
0x1: {  	s1 =	rddreg [dreg:$0x0]  }
0x2: {  	s2 =	srdreg.scid;
	s0 =	stileid.u32  }
0x3: {  	s4 =	rddreg [dreg:$0x1];
	s18 =	sand.u32 $0x1, s2;
	s29 =	sshll.u32 s0, $0x1  }
0x4: {  	s19 =	rddreg [dreg:$0x2];
	s5 =	sor.u32 s18, s29  }
0x5: {  	s3 =	simm.s32 $0x0;
	s2 =	rddreg [dreg:$0x3];
	s20 =	smul.u32 $0x60, s5  }
0x6: {  	[smem:$0x7FF] =	sst s3  }
0x7: {  	_ =	strace $0x80000047;
	s5 =	sadd.s32 s4, s20;
	s4 =	simm.s32 $0x2  }
0x8: {  	[tilespmem:s3], [sflag:$0x2] =	stream.linear.gather [hbm4b:s5+s3], $0x300, $0x38;
	[tilespmem:$0x600] =	vst v63  }
0x9: {  	_ =	swait.ge [sflag:s4], $0x300  }
0xa: {  	[sflag:s4] =	ssyncset.done $0x0  }
0xb: {  	s6 =	simm.s32 $0x80;
	s7 =	simm.s32 $0x300;
	[sflag:s4] =	ssyncadd.s32 $0xFFFFFD00  }
0xc: {  	[tilespmem:s7], [sflag:$0x1] =	stream.indirect.gather [hbm4b:s1+s6], $0x1, s3, s6, $0xb8;
	[tilespmem:$0x600] =	vst v63  }
0xd: {  	s8 =	simm.s32 $0x380  }
0xe: {  	[tilespmem:s8], [sflag:$0x1] =	stream.indirect.gather [hbm4b:s1+s6], $0x1, s6, s6, $0xb8;
	[tilespmem:$0x600] =	vst v63  }
0xf: {  	s9 =	simm.s32 $0x100;
	s10 =	simm.s32 $0x400  }
0x10: {  	[tilespmem:s10], [sflag:$0x1] =	stream.indirect.gather [hbm4b:s1+s6], $0x1, s9, s6, $0xb8;
	[tilespmem:$0x600] =	vst v63  }
0x11: {  	s11 =	simm.s32 $0x180;
	s12 =	simm.s32 $0x480  }
0x12: {  	[tilespmem:s12], [sflag:$0x1] =	stream.indirect.gather [hbm4b:s1+s6], $0x1, s11, s6, $0xb8;
	[tilespmem:$0x600] =	vst v63  }
0x13: {  	s13 =	simm.s32 $0x200;
	s14 =	simm.s32 $0x500  }
0x14: {  	[tilespmem:s14], [sflag:$0x1] =	stream.indirect.gather [hbm4b:s1+s6], $0x1, s13, s6, $0xb8;
	[tilespmem:$0x600] =	vst v63  }
0x15: {  	s15 =	simm.s32 $0x280;
	s16 =	simm.s32 $0x580;
	s17 =	simm.s32 $0x1  }
0x16: {  	[tilespmem:s16], [sflag:$0x1] =	stream.indirect.gather [hbm4b:s1+s6], $0x1, s15, s6, $0xb8;
	[tilespmem:$0x600] =	vst v63  }
0x17: {  	_ =	swait.ge [sflag:s17], $0x80  }
0x18: {  	[sflag:s17] =	ssyncset.done $0x0  }
0x19: {  	[sflag:s17] =	ssyncadd.s32 $0xFFFFFF80  }
0x1a: {  	_ =	swait.ge [sflag:s17], $0x80  }
0x1b: {  	[sflag:s17] =	ssyncset.done $0x0  }
0x1c: {  	[sflag:s17] =	ssyncadd.s32 $0xFFFFFF80  }
0x1d: {  	_ =	swait.ge [sflag:s17], $0x80  }
0x1e: {  	[sflag:s17] =	ssyncset.done $0x0  }
0x1f: {  	[sflag:s17] =	ssyncadd.s32 $0xFFFFFF80  }
0x20: {  	_ =	swait.ge [sflag:s17], $0x80  }
0x21: {  	[sflag:s17] =	ssyncset.done $0x0  }
0x22: {  	s18 =	ssub.s32 $0x2, s18;
	[sflag:s17] =	ssyncadd.s32 $0xFFFFFF80  }
0x23: {  	s21 =	sshrl.u32 s18, $0x1;
	_ =	swait.ge [sflag:s17], $0x80  }
0x24: {  	s30 =	ssub.s32 s18, s21;
	[sflag:s17] =	ssyncset.done $0x0  }
0x25: {  	s31 =	smax.u32 s30, $0x1;
	[sflag:s17] =	ssyncadd.s32 $0xFFFFFF80  }
0x26: {  	p0 =	sne.s32 s31, $0x1;
	_ =	swait.ge [sflag:s17], $0x80  }
.Ltmp0:
0x27: {  	s19 =	sadd.s32 s20, s19;
	[sflag:s17] =	ssyncset.done $0x0;
	(pc) =	sbr.rel @!p0 .LBB2_2-.Ltmp0, $4  }
0x28: {  	s18 =	sadd.s32 $0x800, s19;
	[sflag:s17] =	ssyncadd.s32 $0xFFFFFF80  }
0x29: {  	[hbm4b:s18+s3] =	stream.linear.scatter [tilespmem:s7], [sflag:$0x2], $0x300, $0x38;
	[tilespmem:$0x600] =	vst v63  }
0x2a: {  	_ =	swait.ge [sflag:s4], $0x300  }
0x2b: {  	s19 =	sadd.s32 $0xFFFFFFFF, s31;
	[sflag:s4] =	ssyncset.done $0x0  }
.LBB2_1:
0x2c: {  	p0 =	sne.s32 s19, $0x1;
	s19 =	sadd.s32 $0xFFFFFFFF, s19;
	[sflag:s4] =	ssyncadd.s32 $0xFFFFFD00  }
0x2d: {  	[tilespmem:s3], [sflag:$0x2] =	stream.linear.gather [hbm4b:s5+s3], $0x300, $0x38;
	[tilespmem:$0x600] =	vst v63  }
0x2e: {  	_ =	swait.ge [sflag:s4], $0x300  }
0x2f: {  	[sflag:s4] =	ssyncset.done $0x0  }
0x30: {  	[sflag:s4] =	ssyncadd.s32 $0xFFFFFD00  }
0x31: {  	[tilespmem:s7], [sflag:$0x1] =	stream.indirect.gather [hbm4b:s1+s6], $0x1, s3, s6, $0xb8;
	[tilespmem:$0x600] =	vst v63  }
0x32: {  	_ = 	snop  }
0x33: {  	[tilespmem:s8], [sflag:$0x1] =	stream.indirect.gather [hbm4b:s1+s6], $0x1, s6, s6, $0xb8;
	[tilespmem:$0x600] =	vst v63  }
0x34: {  	_ = 	snop  }
0x35: {  	[tilespmem:s10], [sflag:$0x1] =	stream.indirect.gather [hbm4b:s1+s6], $0x1, s9, s6, $0xb8;
	[tilespmem:$0x600] =	vst v63  }
0x36: {  	_ = 	snop  }
0x37: {  	[tilespmem:s12], [sflag:$0x1] =	stream.indirect.gather [hbm4b:s1+s6], $0x1, s11, s6, $0xb8;
	[tilespmem:$0x600] =	vst v63  }
0x38: {  	_ = 	snop  }
0x39: {  	[tilespmem:s14], [sflag:$0x1] =	stream.indirect.gather [hbm4b:s1+s6], $0x1, s13, s6, $0xb8;
	[tilespmem:$0x600] =	vst v63  }
0x3a: {  	_ = 	snop  }
0x3b: {  	[tilespmem:s16], [sflag:$0x1] =	stream.indirect.gather [hbm4b:s1+s6], $0x1, s15, s6, $0xb8;
	[tilespmem:$0x600] =	vst v63  }
0x3c: {  	_ =	swait.ge [sflag:s17], $0x80  }
0x3d: {  	[sflag:s17] =	ssyncset.done $0x0  }
0x3e: {  	[sflag:s17] =	ssyncadd.s32 $0xFFFFFF80  }
0x3f: {  	_ =	swait.ge [sflag:s17], $0x80  }
0x40: {  	[sflag:s17] =	ssyncset.done $0x0  }
0x41: {  	[sflag:s17] =	ssyncadd.s32 $0xFFFFFF80  }
0x42: {  	_ =	swait.ge [sflag:s17], $0x80  }
0x43: {  	[sflag:s17] =	ssyncset.done $0x0  }
0x44: {  	[sflag:s17] =	ssyncadd.s32 $0xFFFFFF80  }
0x45: {  	_ =	swait.ge [sflag:s17], $0x80  }
0x46: {  	[sflag:s17] =	ssyncset.done $0x0  }
0x47: {  	[sflag:s17] =	ssyncadd.s32 $0xFFFFFF80  }
0x48: {  	_ =	swait.ge [sflag:s17], $0x80  }
0x49: {  	[sflag:s17] =	ssyncset.done $0x0  }
0x4a: {  	[sflag:s17] =	ssyncadd.s32 $0xFFFFFF80  }
0x4b: {  	_ =	swait.ge [sflag:s17], $0x80  }
.Ltmp1:
0x4c: {  	[sflag:s17] =	ssyncset.done $0x0;
	(pc) =	sbr.rel @p0 .LBB2_1-.Ltmp1, $4  }
0x4d: {  	[sflag:s17] =	ssyncadd.s32 $0xFFFFFF80  }
0x4e: {  	[hbm4b:s18+s3] =	stream.linear.scatter [tilespmem:s7], [sflag:$0x2], $0x300, $0x38;
	[tilespmem:$0x600] =	vst v63  }
0x4f: {  	_ =	swait.ge [sflag:s4], $0x300  }
0x50: {  	[sflag:s4] =	ssyncset.done $0x0  }
.LBB2_2:
0x51: {  	[sflag:s4] =	ssyncadd.s32 $0xFFFFFD00  }
0x52: {  	_ =	sfence.sel $0x180000  }
0x53: {  	[bflag:$0x0] =	sbarrier.arrive $0xFFFF  }
0x54: {  	p0 =	sne.s32 s0, $0x0;
	_ =	strace $0x90000047  }
0x55: {  	s0 =	sadd.s32 @!p0 $0x100000, s2;
	[bflag:$0x2] =	sbarrier.arrive $0xFFFF  }
0x56: {  	[sflag:s0] =	ssyncadd.tile.s32 @!p0 $0x1;
	_ =	shalt  }
.Lfunc_end2:
_tile_overlayer_lowered:
.L_overlay_start_2:
0x57: {  	(tag) =	ssettag $0x2  }
0x58: {  	s0 =	rddreg [dreg:$0x0];
	s2 =	stileid.u32  }
0x59: {  	s1 =	rddreg [dreg:$0x1];
	p0 =	sne.s32 s2, $0x0  }
0x5a: {  	s3 =	rddreg [dreg:$0x2];
	[bflag:$0x3] =	sbarrier.arrive $0xFFFF;
	s2 =	simm.s32 @!p0 $0x1C02  }
0x5b: {  	[timem:s3], [sflag:s2] =	dma.local @!p0 [hbm:s0], s1  }
0x5c: {  	s0 =	simm.s32 @!p0 $0x2  }
0x5d: {  	_ =	swait.ge @!p0 [sflag:s0], s1  }
0x5e: {  	s1 =	ssub.s32 @!p0 $0x0, s1;
	[sflag:s0] =	ssyncset.done @!p0 $0x0  }
0x5f: {  	[sflag:s0] =	ssyncadd.s32 @!p0 s1  }
0x60: {  	[bflag:$0x3] =	sbarrier.arrive $0xFFFF  }
0x61: {  	_ =	shalt  }

</sc_bundles>
